<compile_context>
chip_gen: v7x
topology: tpu7x:2x2x1
jax: 0.10.2.dev20260603
libtpu: 0.0.44.dev20260713+nightly
codegen_flags: <defaults>
</compile_context>

<pallas_src>
import jax
import jax.numpy as jnp
from jax import lax
from jax.experimental import pallas as pl
from jax.experimental.pallas import tpu as pltpu
from jax.experimental.pallas import tpu_sc as plsc

N_NODES = 100000
N_EDGES = 6400000
N_ROUNDS = 8
NTILES = 16
NPAD = 102400
NC = NPAD // NTILES
E_TILE = N_EDGES // NTILES
B = 8000
NCHUNK = E_TILE // B


def _dde_body(xp_hbm, srcs, dsts, ones, zeros, out0, out1,
              xp_sp, a0_sp, a1_sp, cnt_sp,
              src_a, src_c, dst_a, dst_c,
              v0_a, v0_c, v1_a, v1_c, ones_buf, pk_buf,
              i_sem_a, i_sem_c, g_sem_a, g_sem_c,
              s_sem_a, s_sem_c, c_sem_a, c_sem_c):
    cid = lax.axis_index("c")
    tid = lax.axis_index("s")
    n0 = tid * NC
    e_base = cid * N_EDGES + tid * E_TILE

    src_b = [src_a, src_c]
    dst_b = [dst_a, dst_c]
    v0_b = [v0_a, v0_c]
    v1_b = [v1_a, v1_c]
    i_sem = [i_sem_a, i_sem_c]
    g_sem = [g_sem_a, g_sem_c]
    s_sem = [s_sem_a, s_sem_c]
    c_sem = [c_sem_a, c_sem_c]

    def issue_idx(i, s):
        ic = jnp.minimum(i, NCHUNK - 1)
        e0 = e_base + ic * B
        pltpu.async_copy(srcs.at[pl.ds(e0, B)], src_b[s], i_sem[s])
        pltpu.async_copy(dsts.at[pl.ds(e0, B)], dst_b[s], i_sem[s])

    def wait_idx(s):
        pltpu.make_async_copy(srcs.at[pl.ds(0, B)], src_b[s], i_sem[s]).wait()
        pltpu.make_async_copy(dsts.at[pl.ds(0, B)], dst_b[s], i_sem[s]).wait()

    def wait_scat(s):
        pltpu.make_async_copy(v0_b[s], a0_sp.at[dst_b[s]], s_sem[s]).wait()
        pltpu.make_async_copy(v1_b[s], a1_sp.at[dst_b[s]], s_sem[s]).wait()

    pltpu.sync_copy(xp_hbm.at[pl.ds(n0, NC)], pk_buf.at[pl.ds(0, NC)])
    pltpu.sync_copy(pk_buf.at[pl.ds(0, NC)], xp_sp.at[pl.ds(n0, NC)])
    pltpu.sync_copy(zeros.at[pl.ds(n0, NC)], v0_a.at[pl.ds(0, NC)])
    pltpu.sync_copy(v0_a.at[pl.ds(0, NC)], cnt_sp.at[pl.ds(n0, NC)])
    pltpu.sync_copy(ones, ones_buf)
    plsc.subcore_barrier()

    def round_body(r, carry):
        pltpu.sync_copy(zeros.at[pl.ds(n0, NC)], v0_a.at[pl.ds(0, NC)])
        pltpu.sync_copy(v0_a.at[pl.ds(0, NC)], a0_sp.at[pl.ds(n0, NC)])
        pltpu.sync_copy(v0_a.at[pl.ds(0, NC)], a1_sp.at[pl.ds(n0, NC)])
        plsc.subcore_barrier()
        issue_idx(0, 0)

        def chunk_pair(g, c):
            for b in (0, 1):
                i = 2 * g + b
                o = 1 - b
                wait_idx(b)
                H = B // 2
                sh0 = src_b[b].at[pl.ds(0, H)]
                sh1 = src_b[b].at[pl.ds(H, H)]
                vh0 = v0_b[b].at[pl.ds(0, H)]
                vh1 = v0_b[b].at[pl.ds(H, H)]
                pltpu.async_copy(xp_sp.at[sh0], vh0, g_sem[b])
                pltpu.async_copy(xp_sp.at[sh1], vh1, g_sem[b])
                pltpu.make_async_copy(xp_sp.at[sh0], vh0, g_sem[b]).wait()
                pltpu.make_async_copy(xp_sp.at[sh1], vh1, g_sem[b]).wait()

                def unp_body(k, c2):
                    for u in range(4):
                        s4 = pl.ds(k * 64 + u * 16, 16)
                        wb = plsc.bitcast(v0_b[b][s4], jnp.bfloat16)
                        g0, g1 = plsc.unpack(
                            wb, format=plsc.PackFormat.INTERLEAVED)
                        v0_b[b][s4] = g0
                        v1_b[b][s4] = g1
                    return c2

                lax.fori_loop(0, B // 64, unp_body, 0)

                @pl.when(i >= 1)
                def _():
                    wait_scat(o)

                @pl.when(jnp.logical_and(r == 0, i >= 1))
                def _():
                    pltpu.make_async_copy(
                        ones_buf, cnt_sp.at[dst_b[o]], c_sem[o]).wait()

                issue_idx(i + 1, o)
                pltpu.async_copy(v0_b[b], a0_sp.at[dst_b[b]], s_sem[b],
                                 add=True)
                pltpu.async_copy(v1_b[b], a1_sp.at[dst_b[b]], s_sem[b],
                                 add=True)

                @pl.when(r == 0)
                def _():
                    pltpu.async_copy(ones_buf, cnt_sp.at[dst_b[b]], c_sem[b],
                                     add=True)

            return c

        lax.fori_loop(0, NCHUNK // 2, chunk_pair, 0)
        wait_scat(1)
        wait_idx(0)

        @pl.when(r == 0)
        def _():
            pltpu.make_async_copy(ones_buf, cnt_sp.at[dst_b[1]],
                                  c_sem[1]).wait()

        plsc.subcore_barrier()

        @pl.when(r == 0)
        def _():
            pltpu.sync_copy(cnt_sp.at[pl.ds(n0, NC)], v0_c.at[pl.ds(0, NC)])

            def inv_body(j, c2):
                s4 = pl.ds(j * 16, 16)
                v0_c[s4] = 1.0 / jnp.maximum(v0_c[s4], 1.0)
                return c2

            lax.fori_loop(0, NC // 16, inv_body, 0)
            pltpu.sync_copy(v0_c.at[pl.ds(0, NC)], cnt_sp.at[pl.ds(n0, NC)])

        pltpu.sync_copy(a0_sp.at[pl.ds(n0, NC)], v0_a.at[pl.ds(0, NC)])
        pltpu.sync_copy(a1_sp.at[pl.ds(n0, NC)], v1_a.at[pl.ds(0, NC)])
        pltpu.sync_copy(cnt_sp.at[pl.ds(n0, NC)], v0_c.at[pl.ds(0, NC)])

        def norm_body(j, c2):
            s4 = pl.ds(j * 16, 16)
            iv = v0_c[s4]
            o0 = v0_a[s4] * iv
            o1 = v1_a[s4] * iv
            v0_a[s4] = o0
            v1_a[s4] = o1
            pk = plsc.pack(o0, o1, format=plsc.PackFormat.INTERLEAVED)
            pk_buf[s4] = plsc.bitcast(pk, jnp.float32)
            return c2

        lax.fori_loop(0, NC // 16, norm_body, 0)
        ooff = (cid * N_ROUNDS + r) * NPAD + n0
        pltpu.sync_copy(v0_a.at[pl.ds(0, NC)], out0.at[pl.ds(ooff, NC)])
        pltpu.sync_copy(v1_a.at[pl.ds(0, NC)], out1.at[pl.ds(ooff, NC)])
        pltpu.sync_copy(pk_buf.at[pl.ds(0, NC)], xp_sp.at[pl.ds(n0, NC)])
        plsc.subcore_barrier()
        return carry

    lax.fori_loop(0, N_ROUNDS, round_body, 0)


_mesh = plsc.VectorSubcoreMesh(core_axis_name="c", subcore_axis_name="s")

_dde_call = pl.kernel(
    _dde_body,
    out_type=(
        jax.ShapeDtypeStruct((2 * N_ROUNDS * NPAD,), jnp.float32),
        jax.ShapeDtypeStruct((2 * N_ROUNDS * NPAD,), jnp.float32),
    ),
    mesh=_mesh,
    compiler_params=pltpu.CompilerParams(needs_layout_passes=False),
    scratch_types=[
        pltpu.VMEM_SHARED((NPAD,), jnp.float32),
        pltpu.VMEM_SHARED((NPAD,), jnp.float32),
        pltpu.VMEM_SHARED((NPAD,), jnp.float32),
        pltpu.VMEM_SHARED((NPAD,), jnp.float32),
        pltpu.VMEM((B,), jnp.int32),
        pltpu.VMEM((B,), jnp.int32),
        pltpu.VMEM((B,), jnp.int32),
        pltpu.VMEM((B,), jnp.int32),
        pltpu.VMEM((B,), jnp.float32),
        pltpu.VMEM((B,), jnp.float32),
        pltpu.VMEM((B,), jnp.float32),
        pltpu.VMEM((B,), jnp.float32),
        pltpu.VMEM((B,), jnp.float32),
        pltpu.VMEM((B,), jnp.float32),
        pltpu.SemaphoreType.DMA,
        pltpu.SemaphoreType.DMA,
        pltpu.SemaphoreType.DMA,
        pltpu.SemaphoreType.DMA,
        pltpu.SemaphoreType.DMA,
        pltpu.SemaphoreType.DMA,
        pltpu.SemaphoreType.DMA,
        pltpu.SemaphoreType.DMA,
    ],
)


def kernel(topic_one_hot, edge_index, reverse_edge_index):
    bits0 = lax.bitcast_convert_type(
        topic_one_hot[:, 0].astype(jnp.bfloat16), jnp.uint16
    ).astype(jnp.uint32)
    bits1 = lax.bitcast_convert_type(
        topic_one_hot[:, 1].astype(jnp.bfloat16), jnp.uint16
    ).astype(jnp.uint32)
    packed = lax.bitcast_convert_type(
        jnp.left_shift(bits1, 16) | bits0, jnp.float32)
    xp = jnp.zeros((NPAD,), jnp.float32).at[:N_NODES].set(packed)
    srcs = jnp.concatenate([edge_index[0], reverse_edge_index[0]])
    dsts = jnp.concatenate([edge_index[1], reverse_edge_index[1]])
    ones = jnp.ones((B,), jnp.float32)
    zeros = jnp.zeros((NPAD,), jnp.float32)
    out0, out1 = _dde_call(xp, srcs, dsts, ones, zeros)
    out0 = out0.reshape(2, N_ROUNDS, NPAD)
    out1 = out1.reshape(2, N_ROUNDS, NPAD)
    res = []
    for c in range(2):
        for r in range(N_ROUNDS):
            res.append(jnp.stack([out0[c, r, :N_NODES], out1[c, r, :N_NODES]],
                                 axis=-1))
    return tuple(res)

# --- scband reference (transcript-rebuilt; emitter-appended) ---
"""Pipeline reference for scband-dde-72988674228566 (READ-ONLY COPY).

The authoritative reference and input builder live on the scoring server;
editing this copy changes nothing except your own understanding.
"""

import jax, jax.numpy as jnp
import numpy as np

NUM_NODES = 100000
NUM_EDGES = 6400000
NUM_ROUNDS = 8
NUM_REVERSE_ROUNDS = 8


def setup_inputs(seed: int = 0) -> dict:
    key = jax.random.key(seed)
    k1, k2, k3 = jax.random.split(key, 3)
    topic_one_hot = jax.random.uniform(k1, (NUM_NODES, 2), dtype=jnp.float32)
    edge_index = jax.random.randint(k2, (2, NUM_EDGES), 0, NUM_NODES, dtype=jnp.int32)
    reverse_edge_index = jax.random.randint(k3, (2, NUM_EDGES), 0, NUM_NODES, dtype=jnp.int32)
    return {
        "topic_one_hot": topic_one_hot,
        "edge_index": edge_index,
        "reverse_edge_index": reverse_edge_index,
    }


def _pe_conv(x, src, dst):
    # PyG MessagePassing(aggr='mean'): message = x_j = x[src], aggregated at dst by mean.
    msgs = jnp.take(x, src, axis=0)
    summed = jax.ops.segment_sum(msgs, dst, num_segments=NUM_NODES)
    cnt = jax.ops.segment_sum(jnp.ones((src.shape[0],), dtype=x.dtype), dst, num_segments=NUM_NODES)
    # PyG scatter-mean clamps the divisor to at least 1 (isolated nodes -> 0)
    return summed / jnp.maximum(cnt, 1.0)[:, None]


def reference(topic_one_hot, edge_index, reverse_edge_index):
    results = []
    cur = topic_one_hot
    for _ in range(NUM_ROUNDS):
        cur = _pe_conv(cur, edge_index[0], edge_index[1])
        results.append(cur)
    cur_rev = topic_one_hot
    for _ in range(NUM_REVERSE_ROUNDS):
        cur_rev = _pe_conv(cur_rev, reverse_edge_index[0], reverse_edge_index[1])
        results.append(cur_rev)
    return tuple(results)

if __name__ == "__main__":
    import jax
    _d = setup_inputs()
    print(jax.jit(kernel)(*tuple(_d.values())))

</pallas_src>

<mosaic_0001>
#map = affine_map<(d0, d1) -> (0)>
module attributes {stable_mosaic.version = 14 : i64} {
  func.func @_dde_body(%arg0: i32, %arg1: i32, %arg2: memref<102400xf32, #tpu.memory_space<hbm>>, %arg3: memref<12800000xi32, #tpu.memory_space<hbm>>, %arg4: memref<12800000xi32, #tpu.memory_space<hbm>>, %arg5: memref<8000xf32, #tpu.memory_space<hbm>>, %arg6: memref<102400xf32, #tpu.memory_space<hbm>>, %arg7: memref<1638400xf32, #tpu.memory_space<hbm>>, %arg8: memref<1638400xf32, #tpu.memory_space<hbm>>, %arg9: memref<102400xf32, #tpu.memory_space<vmem_shared>>, %arg10: memref<102400xf32, #tpu.memory_space<vmem_shared>>, %arg11: memref<102400xf32, #tpu.memory_space<vmem_shared>>, %arg12: memref<102400xf32, #tpu.memory_space<vmem_shared>>, %arg13: memref<8000xi32, #tpu.memory_space<vmem>>, %arg14: memref<8000xi32, #tpu.memory_space<vmem>>, %arg15: memref<8000xi32, #tpu.memory_space<vmem>>, %arg16: memref<8000xi32, #tpu.memory_space<vmem>>, %arg17: memref<8000xf32, #tpu.memory_space<vmem>>, %arg18: memref<8000xf32, #tpu.memory_space<vmem>>, %arg19: memref<8000xf32, #tpu.memory_space<vmem>>, %arg20: memref<8000xf32, #tpu.memory_space<vmem>>, %arg21: memref<8000xf32, #tpu.memory_space<vmem>>, %arg22: memref<8000xf32, #tpu.memory_space<vmem>>, %arg23: memref<!tpu.dma_semaphore, #tpu.memory_space<semaphore_mem>>, %arg24: memref<!tpu.dma_semaphore, #tpu.memory_space<semaphore_mem>>, %arg25: memref<!tpu.dma_semaphore, #tpu.memory_space<semaphore_mem>>, %arg26: memref<!tpu.dma_semaphore, #tpu.memory_space<semaphore_mem>>, %arg27: memref<!tpu.dma_semaphore, #tpu.memory_space<semaphore_mem>>, %arg28: memref<!tpu.dma_semaphore, #tpu.memory_space<semaphore_mem>>, %arg29: memref<!tpu.dma_semaphore, #tpu.memory_space<semaphore_mem>>, %arg30: memref<!tpu.dma_semaphore, #tpu.memory_space<semaphore_mem>>) attributes {dimension_semantics = [#tpu.dimension_semantics<core_parallel>, #tpu.dimension_semantics<subcore_parallel>], iteration_bounds = array<i64: 2, 16>, scalar_prefetch = 0 : i64, scratch_operands = 22 : i64, tpu.core_type = #tpu.core_type<sc_vector_subcore>, window_params = [{transform_indices = #map}, {transform_indices = #map}, {transform_indices = #map}, {transform_indices = #map}, {transform_indices = #map}, {transform_indices = #map}, {transform_indices = #map}]} {
    %mul3A = arith.constant 6400 : i32
    %mul3A_0 = arith.muli %arg1, %mul3A : i32
    %mul3A_1 = arith.constant 6400000 : i32
    %mul3A_2 = arith.muli %arg0, %mul3A_1 : i32
    %mul3A_3 = arith.constant 400000 : i32
    %mul3A_4 = arith.muli %arg1, %mul3A_3 : i32
    %add3A = arith.addi %mul3A_2, %mul3A_4 : i32
    "tpu.region"() ({
      %run_scoped3A = tpu.sem_alloc : memref<!tpu.dma_semaphore, #tpu.memory_space<semaphore_mem>>
      %dma_start3A = arith.constant 0 : i32
      %dma_start3A_10 = tpu.memref_slice %arg22[%dma_start3A] : memref<8000xf32, #tpu.memory_space<vmem>> -> memref<6400xf32, #tpu.memory_space<vmem>>
      %dma_start3A_11 = tpu.memref_slice %arg2[%mul3A_0] : memref<102400xf32, #tpu.memory_space<hbm>> -> memref<6400xf32, #tpu.memory_space<hbm>>
      %dma_start3A_12 = arith.constant 0 : i32
      %dma_start3A_13 = tpu.memref_slice %arg22[%dma_start3A_12] : memref<8000xf32, #tpu.memory_space<vmem>> -> memref<6400xf32, #tpu.memory_space<vmem>>
      %dma_start3A_14 = tpu.memref_slice %arg2[%mul3A_0] : memref<102400xf32, #tpu.memory_space<hbm>> -> memref<6400xf32, #tpu.memory_space<hbm>>
      tpu.enqueue_dma source(%dma_start3A_14 : memref<6400xf32, #tpu.memory_space<hbm>>) target(%dma_start3A_13 : memref<6400xf32, #tpu.memory_space<vmem>>) target_semaphore(%run_scoped3A : memref<!tpu.dma_semaphore, #tpu.memory_space<semaphore_mem>>)
      %dma_wait3A = arith.constant 0 : i32
      %dma_wait3A_15 = tpu.memref_slice %arg22[%dma_wait3A] : memref<8000xf32, #tpu.memory_space<vmem>> -> memref<6400xf32, #tpu.memory_space<vmem>>
      %dma_wait3A_16 = tpu.memref_slice %arg2[%mul3A_0] : memref<102400xf32, #tpu.memory_space<hbm>> -> memref<6400xf32, #tpu.memory_space<hbm>>
      %dma_wait3A_17 = arith.constant 0 : i32
      %dma_wait3A_18 = tpu.memref_slice %arg22[%dma_wait3A_17] : memref<8000xf32, #tpu.memory_space<vmem>> -> memref<6400xf32, #tpu.memory_space<vmem>>
      %dma_wait3A_19 = tpu.memref_slice %arg2[%mul3A_0] : memref<102400xf32, #tpu.memory_space<hbm>> -> memref<6400xf32, #tpu.memory_space<hbm>>
      tpu.wait_dma2 semaphore(%run_scoped3A : memref<!tpu.dma_semaphore, #tpu.memory_space<semaphore_mem>>) src(%dma_wait3A_19 : memref<6400xf32, #tpu.memory_space<hbm>>) dst(%dma_wait3A_18 : memref<6400xf32, #tpu.memory_space<vmem>>)
      tpu.yield
    }) : () -> ()
    "tpu.region"() ({
      %run_scoped3A = tpu.sem_alloc : memref<!tpu.dma_semaphore, #tpu.memory_space<semaphore_mem>>
      %dma_start3A = arith.constant 0 : i32
      %dma_start3A_10 = tpu.memref_slice %arg22[%dma_start3A] : memref<8000xf32, #tpu.memory_space<vmem>> -> memref<6400xf32, #tpu.memory_space<vmem>>
      %dma_start3A_11 = tpu.memref_slice %arg9[%mul3A_0] : memref<102400xf32, #tpu.memory_space<vmem_shared>> -> memref<6400xf32, #tpu.memory_space<vmem_shared>>
      %dma_start3A_12 = tpu.memref_slice %arg9[%mul3A_0] : memref<102400xf32, #tpu.memory_space<vmem_shared>> -> memref<6400xf32, #tpu.memory_space<vmem_shared>>
      %dma_start3A_13 = arith.constant 0 : i32
      %dma_start3A_14 = tpu.memref_slice %arg22[%dma_start3A_13] : memref<8000xf32, #tpu.memory_space<vmem>> -> memref<6400xf32, #tpu.memory_space<vmem>>
      tpu.enqueue_dma source(%dma_start3A_14 : memref<6400xf32, #tpu.memory_space<vmem>>) target(%dma_start3A_12 : memref<6400xf32, #tpu.memory_space<vmem_shared>>) target_semaphore(%run_scoped3A : memref<!tpu.dma_semaphore, #tpu.memory_space<semaphore_mem>>)
      %dma_wait3A = arith.constant 0 : i32
      %dma_wait3A_15 = tpu.memref_slice %arg22[%dma_wait3A] : memref<8000xf32, #tpu.memory_space<vmem>> -> memref<6400xf32, #tpu.memory_space<vmem>>
      %dma_wait3A_16 = tpu.memref_slice %arg9[%mul3A_0] : memref<102400xf32, #tpu.memory_space<vmem_shared>> -> memref<6400xf32, #tpu.memory_space<vmem_shared>>
      %dma_wait3A_17 = tpu.memref_slice %arg9[%mul3A_0] : memref<102400xf32, #tpu.memory_space<vmem_shared>> -> memref<6400xf32, #tpu.memory_space<vmem_shared>>
      %dma_wait3A_18 = arith.constant 0 : i32
      %dma_wait3A_19 = tpu.memref_slice %arg22[%dma_wait3A_18] : memref<8000xf32, #tpu.memory_space<vmem>> -> memref<6400xf32, #tpu.memory_space<vmem>>
      tpu.wait_dma2 semaphore(%run_scoped3A : memref<!tpu.dma_semaphore, #tpu.memory_space<semaphore_mem>>) src(%dma_wait3A_19 : memref<6400xf32, #tpu.memory_space<vmem>>) dst(%dma_wait3A_17 : memref<6400xf32, #tpu.memory_space<vmem_shared>>)
      tpu.yield
    }) : () -> ()
    "tpu.region"() ({
      %run_scoped3A = tpu.sem_alloc : memref<!tpu.dma_semaphore, #tpu.memory_space<semaphore_mem>>
      %dma_start3A = arith.constant 0 : i32
      %dma_start3A_10 = tpu.memref_slice %arg17[%dma_start3A] : memref<8000xf32, #tpu.memory_space<vmem>> -> memref<6400xf32, #tpu.memory_space<vmem>>
      %dma_start3A_11 = tpu.memref_slice %arg6[%mul3A_0] : memref<102400xf32, #tpu.memory_space<hbm>> -> memref<6400xf32, #tpu.memory_space<hbm>>
      %dma_start3A_12 = arith.constant 0 : i32
      %dma_start3A_13 = tpu.memref_slice %arg17[%dma_start3A_12] : memref<8000xf32, #tpu.memory_space<vmem>> -> memref<6400xf32, #tpu.memory_space<vmem>>
      %dma_start3A_14 = tpu.memref_slice %arg6[%mul3A_0] : memref<102400xf32, #tpu.memory_space<hbm>> -> memref<6400xf32, #tpu.memory_space<hbm>>
      tpu.enqueue_dma source(%dma_start3A_14 : memref<6400xf32, #tpu.memory_space<hbm>>) target(%dma_start3A_13 : memref<6400xf32, #tpu.memory_space<vmem>>) target_semaphore(%run_scoped3A : memref<!tpu.dma_semaphore, #tpu.memory_space<semaphore_mem>>)
      %dma_wait3A = arith.constant 0 : i32
      %dma_wait3A_15 = tpu.memref_slice %arg17[%dma_wait3A] : memref<8000xf32, #tpu.memory_space<vmem>> -> memref<6400xf32, #tpu.memory_space<vmem>>
      %dma_wait3A_16 = tpu.memref_slice %arg6[%mul3A_0] : memref<102400xf32, #tpu.memory_space<hbm>> -> memref<6400xf32, #tpu.memory_space<hbm>>
      %dma_wait3A_17 = arith.constant 0 : i32
      %dma_wait3A_18 = tpu.memref_slice %arg17[%dma_wait3A_17] : memref<8000xf32, #tpu.memory_space<vmem>> -> memref<6400xf32, #tpu.memory_space<vmem>>
      %dma_wait3A_19 = tpu.memref_slice %arg6[%mul3A_0] : memref<102400xf32, #tpu.memory_space<hbm>> -> memref<6400xf32, #tpu.memory_space<hbm>>
      tpu.wait_dma2 semaphore(%run_scoped3A : memref<!tpu.dma_semaphore, #tpu.memory_space<semaphore_mem>>) src(%dma_wait3A_19 : memref<6400xf32, #tpu.memory_space<hbm>>) dst(%dma_wait3A_18 : memref<6400xf32, #tpu.memory_space<vmem>>)
      tpu.yield
    }) : () -> ()
    "tpu.region"() ({
      %run_scoped3A = tpu.sem_alloc : memref<!tpu.dma_semaphore, #tpu.memory_space<semaphore_mem>>
      %dma_start3A = arith.constant 0 : i32
      %dma_start3A_10 = tpu.memref_slice %arg17[%dma_start3A] : memref<8000xf32, #tpu.memory_space<vmem>> -> memref<6400xf32, #tpu.memory_space<vmem>>
      %dma_start3A_11 = tpu.memref_slice %arg12[%mul3A_0] : memref<102400xf32, #tpu.memory_space<vmem_shared>> -> memref<6400xf32, #tpu.memory_space<vmem_shared>>
      %dma_start3A_12 = tpu.memref_slice %arg12[%mul3A_0] : memref<102400xf32, #tpu.memory_space<vmem_shared>> -> memref<6400xf32, #tpu.memory_space<vmem_shared>>
      %dma_start3A_13 = arith.constant 0 : i32
      %dma_start3A_14 = tpu.memref_slice %arg17[%dma_start3A_13] : memref<8000xf32, #tpu.memory_space<vmem>> -> memref<6400xf32, #tpu.memory_space<vmem>>
      tpu.enqueue_dma source(%dma_start3A_14 : memref<6400xf32, #tpu.memory_space<vmem>>) target(%dma_start3A_12 : memref<6400xf32, #tpu.memory_space<vmem_shared>>) target_semaphore(%run_scoped3A : memref<!tpu.dma_semaphore, #tpu.memory_space<semaphore_mem>>)
      %dma_wait3A = arith.constant 0 : i32
      %dma_wait3A_15 = tpu.memref_slice %arg17[%dma_wait3A] : memref<8000xf32, #tpu.memory_space<vmem>> -> memref<6400xf32, #tpu.memory_space<vmem>>
      %dma_wait3A_16 = tpu.memref_slice %arg12[%mul3A_0] : memref<102400xf32, #tpu.memory_space<vmem_shared>> -> memref<6400xf32, #tpu.memory_space<vmem_shared>>
      %dma_wait3A_17 = tpu.memref_slice %arg12[%mul3A_0] : memref<102400xf32, #tpu.memory_space<vmem_shared>> -> memref<6400xf32, #tpu.memory_space<vmem_shared>>
      %dma_wait3A_18 = arith.constant 0 : i32
      %dma_wait3A_19 = tpu.memref_slice %arg17[%dma_wait3A_18] : memref<8000xf32, #tpu.memory_space<vmem>> -> memref<6400xf32, #tpu.memory_space<vmem>>
      tpu.wait_dma2 semaphore(%run_scoped3A : memref<!tpu.dma_semaphore, #tpu.memory_space<semaphore_mem>>) src(%dma_wait3A_19 : memref<6400xf32, #tpu.memory_space<vmem>>) dst(%dma_wait3A_17 : memref<6400xf32, #tpu.memory_space<vmem_shared>>)
      tpu.yield
    }) : () -> ()
    "tpu.region"() ({
      %run_scoped3A = tpu.sem_alloc : memref<!tpu.dma_semaphore, #tpu.memory_space<semaphore_mem>>
      tpu.enqueue_dma source(%arg5 : memref<8000xf32, #tpu.memory_space<hbm>>) target(%arg21 : memref<8000xf32, #tpu.memory_space<vmem>>) target_semaphore(%run_scoped3A : memref<!tpu.dma_semaphore, #tpu.memory_space<semaphore_mem>>)
      tpu.wait_dma2 semaphore(%run_scoped3A : memref<!tpu.dma_semaphore, #tpu.memory_space<semaphore_mem>>) src(%arg5 : memref<8000xf32, #tpu.memory_space<hbm>>) dst(%arg21 : memref<8000xf32, #tpu.memory_space<vmem>>)
      tpu.yield
    }) : () -> ()
    %barrier3A = arith.constant 0 : index
    tpu.barrier barrier_id(%barrier3A)
    %scan3A = arith.constant 0 : i32
    %scan3A_5 = arith.constant 0 : i32
    %scan3A_6 = arith.constant 8 : i32
    %scan3A_7 = arith.addi %scan3A_5, %scan3A_6 : i32
    %scan3A_8 = arith.constant 1 : i32
    scf.for %scan3A_10 = %scan3A_5 to %scan3A_7 step %scan3A_8  : i32 {
      "tpu.region"() ({
        %run_scoped3A = tpu.sem_alloc : memref<!tpu.dma_semaphore, #tpu.memory_space<semaphore_mem>>
        %dma_start3A_58 = arith.constant 0 : i32
        %dma_start3A_59 = tpu.memref_slice %arg17[%dma_start3A_58] : memref<8000xf32, #tpu.memory_space<vmem>> -> memref<6400xf32, #tpu.memory_space<vmem>>
        %dma_start3A_60 = tpu.memref_slice %arg6[%mul3A_0] : memref<102400xf32, #tpu.memory_space<hbm>> -> memref<6400xf32, #tpu.memory_space<hbm>>
        %dma_start3A_61 = arith.constant 0 : i32
        %dma_start3A_62 = tpu.memref_slice %arg17[%dma_start3A_61] : memref<8000xf32, #tpu.memory_space<vmem>> -> memref<6400xf32, #tpu.memory_space<vmem>>
        %dma_start3A_63 = tpu.memref_slice %arg6[%mul3A_0] : memref<102400xf32, #tpu.memory_space<hbm>> -> memref<6400xf32, #tpu.memory_space<hbm>>
        tpu.enqueue_dma source(%dma_start3A_63 : memref<6400xf32, #tpu.memory_space<hbm>>) target(%dma_start3A_62 : memref<6400xf32, #tpu.memory_space<vmem>>) target_semaphore(%run_scoped3A : memref<!tpu.dma_semaphore, #tpu.memory_space<semaphore_mem>>)
        %dma_wait3A_64 = arith.constant 0 : i32
        %dma_wait3A_65 = tpu.memref_slice %arg17[%dma_wait3A_64] : memref<8000xf32, #tpu.memory_space<vmem>> -> memref<6400xf32, #tpu.memory_space<vmem>>
        %dma_wait3A_66 = tpu.memref_slice %arg6[%mul3A_0] : memref<102400xf32, #tpu.memory_space<hbm>> -> memref<6400xf32, #tpu.memory_space<hbm>>
        %dma_wait3A_67 = arith.constant 0 : i32
        %dma_wait3A_68 = tpu.memref_slice %arg17[%dma_wait3A_67] : memref<8000xf32, #tpu.memory_space<vmem>> -> memref<6400xf32, #tpu.memory_space<vmem>>
        %dma_wait3A_69 = tpu.memref_slice %arg6[%mul3A_0] : memref<102400xf32, #tpu.memory_space<hbm>> -> memref<6400xf32, #tpu.memory_space<hbm>>
        tpu.wait_dma2 semaphore(%run_scoped3A : memref<!tpu.dma_semaphore, #tpu.memory_space<semaphore_mem>>) src(%dma_wait3A_69 : memref<6400xf32, #tpu.memory_space<hbm>>) dst(%dma_wait3A_68 : memref<6400xf32, #tpu.memory_space<vmem>>)
        tpu.yield
      }) : () -> ()
      "tpu.region"() ({
        %run_scoped3A = tpu.sem_alloc : memref<!tpu.dma_semaphore, #tpu.memory_space<semaphore_mem>>
        %dma_start3A_58 = arith.constant 0 : i32
        %dma_start3A_59 = tpu.memref_slice %arg17[%dma_start3A_58] : memref<8000xf32, #tpu.memory_space<vmem>> -> memref<6400xf32, #tpu.memory_space<vmem>>
        %dma_start3A_60 = tpu.memref_slice %arg10[%mul3A_0] : memref<102400xf32, #tpu.memory_space<vmem_shared>> -> memref<6400xf32, #tpu.memory_space<vmem_shared>>
        %dma_start3A_61 = tpu.memref_slice %arg10[%mul3A_0] : memref<102400xf32, #tpu.memory_space<vmem_shared>> -> memref<6400xf32, #tpu.memory_space<vmem_shared>>
        %dma_start3A_62 = arith.constant 0 : i32
        %dma_start3A_63 = tpu.memref_slice %arg17[%dma_start3A_62] : memref<8000xf32, #tpu.memory_space<vmem>> -> memref<6400xf32, #tpu.memory_space<vmem>>
        tpu.enqueue_dma source(%dma_start3A_63 : memref<6400xf32, #tpu.memory_space<vmem>>) target(%dma_start3A_61 : memref<6400xf32, #tpu.memory_space<vmem_shared>>) target_semaphore(%run_scoped3A : memref<!tpu.dma_semaphore, #tpu.memory_space<semaphore_mem>>)
        %dma_wait3A_64 = arith.constant 0 : i32
        %dma_wait3A_65 = tpu.memref_slice %arg17[%dma_wait3A_64] : memref<8000xf32, #tpu.memory_space<vmem>> -> memref<6400xf32, #tpu.memory_space<vmem>>
        %dma_wait3A_66 = tpu.memref_slice %arg10[%mul3A_0] : memref<102400xf32, #tpu.memory_space<vmem_shared>> -> memref<6400xf32, #tpu.memory_space<vmem_shared>>
        %dma_wait3A_67 = tpu.memref_slice %arg10[%mul3A_0] : memref<102400xf32, #tpu.memory_space<vmem_shared>> -> memref<6400xf32, #tpu.memory_space<vmem_shared>>
        %dma_wait3A_68 = arith.constant 0 : i32
        %dma_wait3A_69 = tpu.memref_slice %arg17[%dma_wait3A_68] : memref<8000xf32, #tpu.memory_space<vmem>> -> memref<6400xf32, #tpu.memory_space<vmem>>
        tpu.wait_dma2 semaphore(%run_scoped3A : memref<!tpu.dma_semaphore, #tpu.memory_space<semaphore_mem>>) src(%dma_wait3A_69 : memref<6400xf32, #tpu.memory_space<vmem>>) dst(%dma_wait3A_67 : memref<6400xf32, #tpu.memory_space<vmem_shared>>)
        tpu.yield
      }) : () -> ()
      "tpu.region"() ({
        %run_scoped3A = tpu.sem_alloc : memref<!tpu.dma_semaphore, #tpu.memory_space<semaphore_mem>>
        %dma_start3A_58 = arith.constant 0 : i32
        %dma_start3A_59 = tpu.memref_slice %arg17[%dma_start3A_58] : memref<8000xf32, #tpu.memory_space<vmem>> -> memref<6400xf32, #tpu.memory_space<vmem>>
        %dma_start3A_60 = tpu.memref_slice %arg11[%mul3A_0] : memref<102400xf32, #tpu.memory_space<vmem_shared>> -> memref<6400xf32, #tpu.memory_space<vmem_shared>>
        %dma_start3A_61 = tpu.memref_slice %arg11[%mul3A_0] : memref<102400xf32, #tpu.memory_space<vmem_shared>> -> memref<6400xf32, #tpu.memory_space<vmem_shared>>
        %dma_start3A_62 = arith.constant 0 : i32
        %dma_start3A_63 = tpu.memref_slice %arg17[%dma_start3A_62] : memref<8000xf32, #tpu.memory_space<vmem>> -> memref<6400xf32, #tpu.memory_space<vmem>>
        tpu.enqueue_dma source(%dma_start3A_63 : memref<6400xf32, #tpu.memory_space<vmem>>) target(%dma_start3A_61 : memref<6400xf32, #tpu.memory_space<vmem_shared>>) target_semaphore(%run_scoped3A : memref<!tpu.dma_semaphore, #tpu.memory_space<semaphore_mem>>)
        %dma_wait3A_64 = arith.constant 0 : i32
        %dma_wait3A_65 = tpu.memref_slice %arg17[%dma_wait3A_64] : memref<8000xf32, #tpu.memory_space<vmem>> -> memref<6400xf32, #tpu.memory_space<vmem>>
        %dma_wait3A_66 = tpu.memref_slice %arg11[%mul3A_0] : memref<102400xf32, #tpu.memory_space<vmem_shared>> -> memref<6400xf32, #tpu.memory_space<vmem_shared>>
        %dma_wait3A_67 = tpu.memref_slice %arg11[%mul3A_0] : memref<102400xf32, #tpu.memory_space<vmem_shared>> -> memref<6400xf32, #tpu.memory_space<vmem_shared>>
        %dma_wait3A_68 = arith.constant 0 : i32
        %dma_wait3A_69 = tpu.memref_slice %arg17[%dma_wait3A_68] : memref<8000xf32, #tpu.memory_space<vmem>> -> memref<6400xf32, #tpu.memory_space<vmem>>
        tpu.wait_dma2 semaphore(%run_scoped3A : memref<!tpu.dma_semaphore, #tpu.memory_space<semaphore_mem>>) src(%dma_wait3A_69 : memref<6400xf32, #tpu.memory_space<vmem>>) dst(%dma_wait3A_67 : memref<6400xf32, #tpu.memory_space<vmem_shared>>)
        tpu.yield
      }) : () -> ()
      %barrier3A_11 = arith.constant 0 : index
      tpu.barrier barrier_id(%barrier3A_11)
      %min3A = arith.constant 0 : i32
      %min3A_12 = arith.constant 49 : i32
      %min3A_13 = arith.minsi %min3A, %min3A_12 : i32
      %mul3A_14 = arith.constant 8000 : i32
      %mul3A_15 = arith.muli %min3A_13, %mul3A_14 : i32
      %add3A_16 = arith.addi %add3A, %mul3A_15 : i32
      %dma_start3A = tpu.memref_slice %arg3[%add3A_16] : memref<12800000xi32, #tpu.memory_space<hbm>> -> memref<8000xi32, #tpu.memory_space<hbm>>
      %dma_start3A_17 = tpu.memref_slice %arg3[%add3A_16] : memref<12800000xi32, #tpu.memory_space<hbm>> -> memref<8000xi32, #tpu.memory_space<hbm>>
      tpu.enqueue_dma source(%dma_start3A_17 : memref<8000xi32, #tpu.memory_space<hbm>>) target(%arg13 : memref<8000xi32, #tpu.memory_space<vmem>>) target_semaphore(%arg23 : memref<!tpu.dma_semaphore, #tpu.memory_space<semaphore_mem>>)
      %dma_start3A_18 = tpu.memref_slice %arg4[%add3A_16] : memref<12800000xi32, #tpu.memory_space<hbm>> -> memref<8000xi32, #tpu.memory_space<hbm>>
      %dma_start3A_19 = tpu.memref_slice %arg4[%add3A_16] : memref<12800000xi32, #tpu.memory_space<hbm>> -> memref<8000xi32, #tpu.memory_space<hbm>>
      tpu.enqueue_dma source(%dma_start3A_19 : memref<8000xi32, #tpu.memory_space<hbm>>) target(%arg15 : memref<8000xi32, #tpu.memory_space<vmem>>) target_semaphore(%arg23 : memref<!tpu.dma_semaphore, #tpu.memory_space<semaphore_mem>>)
      %scan3A_20 = arith.constant 0 : i32
      %scan3A_21 = arith.constant 0 : i32
      %scan3A_22 = arith.constant 25 : i32
      %scan3A_23 = arith.addi %scan3A_21, %scan3A_22 : i32
      %scan3A_24 = arith.constant 1 : i32
      scf.for %scan3A_58 = %scan3A_21 to %scan3A_23 step %scan3A_24  : i32 {
        %mul3A_59 = arith.constant 2 : i32
        %mul3A_60 = arith.muli %mul3A_59, %scan3A_58 : i32
        %add3A_61 = arith.constant 0 : i32
        %add3A_62 = arith.addi %mul3A_60, %add3A_61 : i32
        %dma_wait3A_63 = arith.constant 0 : i32
        %dma_wait3A_64 = tpu.memref_slice %arg3[%dma_wait3A_63] : memref<12800000xi32, #tpu.memory_space<hbm>> -> memref<8000xi32, #tpu.memory_space<hbm>>
        %dma_wait3A_65 = arith.constant 0 : i32
        %dma_wait3A_66 = tpu.memref_slice %arg3[%dma_wait3A_65] : memref<12800000xi32, #tpu.memory_space<hbm>> -> memref<8000xi32, #tpu.memory_space<hbm>>
        tpu.wait_dma2 semaphore(%arg23 : memref<!tpu.dma_semaphore, #tpu.memory_space<semaphore_mem>>) src(%dma_wait3A_66 : memref<8000xi32, #tpu.memory_space<hbm>>) dst(%arg13 : memref<8000xi32, #tpu.memory_space<vmem>>)
        %dma_wait3A_67 = arith.constant 0 : i32
        %dma_wait3A_68 = tpu.memref_slice %arg4[%dma_wait3A_67] : memref<12800000xi32, #tpu.memory_space<hbm>> -> memref<8000xi32, #tpu.memory_space<hbm>>
        %dma_wait3A_69 = arith.constant 0 : i32
        %dma_wait3A_70 = tpu.memref_slice %arg4[%dma_wait3A_69] : memref<12800000xi32, #tpu.memory_space<hbm>> -> memref<8000xi32, #tpu.memory_space<hbm>>
        tpu.wait_dma2 semaphore(%arg23 : memref<!tpu.dma_semaphore, #tpu.memory_space<semaphore_mem>>) src(%dma_wait3A_70 : memref<8000xi32, #tpu.memory_space<hbm>>) dst(%arg15 : memref<8000xi32, #tpu.memory_space<vmem>>)
        %dma_start3A_71 = arith.constant 0 : i32
        %dma_start3A_72 = tpu.memref_slice %arg17[%dma_start3A_71] : memref<8000xf32, #tpu.memory_space<vmem>> -> memref<4000xf32, #tpu.memory_space<vmem>>
        %dma_start3A_73 = arith.constant 0 : i32
        %dma_start3A_74 = tpu.memref_slice %arg13[%dma_start3A_73] : memref<8000xi32, #tpu.memory_space<vmem>> -> memref<4000xi32, #tpu.memory_space<vmem>>
        %dma_start3A_75 = arith.constant 0 : i32
        %dma_start3A_76 = tpu.memref_slice %arg9[%dma_start3A_75] : memref<102400xf32, #tpu.memory_space<vmem_shared>> -> memref<102400xf32, #tpu.memory_space<vmem_shared>>
        tpu.enqueue_indirect_dma source(%dma_start3A_76 : memref<102400xf32, #tpu.memory_space<vmem_shared>>) target(%dma_start3A_72 : memref<4000xf32, #tpu.memory_space<vmem>>) offsets(%dma_start3A_74 : memref<4000xi32, #tpu.memory_space<vmem>>) semaphore(%arg25 : memref<!tpu.dma_semaphore, #tpu.memory_space<semaphore_mem>>)
        %dma_start3A_77 = arith.constant 4000 : i32
        %dma_start3A_78 = tpu.memref_slice %arg17[%dma_start3A_77] : memref<8000xf32, #tpu.memory_space<vmem>> -> memref<4000xf32, #tpu.memory_space<vmem>>
        %dma_start3A_79 = arith.constant 4000 : i32
        %dma_start3A_80 = tpu.memref_slice %arg13[%dma_start3A_79] : memref<8000xi32, #tpu.memory_space<vmem>> -> memref<4000xi32, #tpu.memory_space<vmem>>
        %dma_start3A_81 = arith.constant 0 : i32
        %dma_start3A_82 = tpu.memref_slice %arg9[%dma_start3A_81] : memref<102400xf32, #tpu.memory_space<vmem_shared>> -> memref<102400xf32, #tpu.memory_space<vmem_shared>>
        tpu.enqueue_indirect_dma source(%dma_start3A_82 : memref<102400xf32, #tpu.memory_space<vmem_shared>>) target(%dma_start3A_78 : memref<4000xf32, #tpu.memory_space<vmem>>) offsets(%dma_start3A_80 : memref<4000xi32, #tpu.memory_space<vmem>>) semaphore(%arg25 : memref<!tpu.dma_semaphore, #tpu.memory_space<semaphore_mem>>)
        %dma_wait3A_83 = arith.constant 0 : i32
        %dma_wait3A_84 = tpu.memref_slice %arg17[%dma_wait3A_83] : memref<8000xf32, #tpu.memory_space<vmem>> -> memref<4000xf32, #tpu.memory_space<vmem>>
        %dma_wait3A_85 = arith.constant 0 : i32
        %dma_wait3A_86 = tpu.memref_slice %arg13[%dma_wait3A_85] : memref<8000xi32, #tpu.memory_space<vmem>> -> memref<4000xi32, #tpu.memory_space<vmem>>
        %dma_wait3A_87 = arith.constant 0 : i32
        %dma_wait3A_88 = tpu.memref_slice %arg9[%dma_wait3A_87] : memref<102400xf32, #tpu.memory_space<vmem_shared>> -> memref<102400xf32, #tpu.memory_space<vmem_shared>>
        tpu.wait_indirect_dma semaphore(%arg25 : memref<!tpu.dma_semaphore, #tpu.memory_space<semaphore_mem>>) src(%dma_wait3A_88 : memref<102400xf32, #tpu.memory_space<vmem_shared>>) dst(%dma_wait3A_84 : memref<4000xf32, #tpu.memory_space<vmem>>)
        %dma_wait3A_89 = arith.constant 4000 : i32
        %dma_wait3A_90 = tpu.memref_slice %arg17[%dma_wait3A_89] : memref<8000xf32, #tpu.memory_space<vmem>> -> memref<4000xf32, #tpu.memory_space<vmem>>
        %dma_wait3A_91 = arith.constant 4000 : i32
        %dma_wait3A_92 = tpu.memref_slice %arg13[%dma_wait3A_91] : memref<8000xi32, #tpu.memory_space<vmem>> -> memref<4000xi32, #tpu.memory_space<vmem>>
        %dma_wait3A_93 = arith.constant 0 : i32
        %dma_wait3A_94 = tpu.memref_slice %arg9[%dma_wait3A_93] : memref<102400xf32, #tpu.memory_space<vmem_shared>> -> memref<102400xf32, #tpu.memory_space<vmem_shared>>
        tpu.wait_indirect_dma semaphore(%arg25 : memref<!tpu.dma_semaphore, #tpu.memory_space<semaphore_mem>>) src(%dma_wait3A_94 : memref<102400xf32, #tpu.memory_space<vmem_shared>>) dst(%dma_wait3A_90 : memref<4000xf32, #tpu.memory_space<vmem>>)
        %scan3A_95 = arith.constant 0 : i32
        %scan3A_96 = arith.constant 0 : i32
        %scan3A_97 = arith.constant 125 : i32
        %scan3A_98 = arith.addi %scan3A_96, %scan3A_97 : i32
        %scan3A_99 = arith.constant 1 : i32
        scf.for %scan3A_207 = %scan3A_96 to %scan3A_98 step %scan3A_99  : i32 {
          %mul3A_208 = arith.constant 64 : i32
          %mul3A_209 = arith.muli %scan3A_207, %mul3A_208 : i32
          %add3A_210 = arith.constant 0 : i32
          %add3A_211 = arith.addi %mul3A_209, %add3A_210 : i32
          %get3A = arith.index_cast %add3A_211 : i32 to index
          %get3A_212 = tpu.vector_load %arg17[%get3A] {strides = array<i32>} : memref<8000xf32, #tpu.memory_space<vmem>>, vector<16xf32>,
          %bitcast3A = vector.bitcast %get3A_212 : vector<16xf32> to vector<32xbf16>
          %unpack3A = tpu.unpack_subelements %bitcast3A, 0 {pack_format = #tpu.pack_format<interleaved>} : vector<32xbf16> -> vector<16xf32>
          %unpack3A_213 = tpu.unpack_subelements %bitcast3A, 1 {pack_format = #tpu.pack_format<interleaved>} : vector<32xbf16> -> vector<16xf32>
          %swap3A = arith.index_cast %add3A_211 : i32 to index
          %swap3A_214 = tpu.vector_load %arg17[%swap3A] {strides = array<i32>} : memref<8000xf32, #tpu.memory_space<vmem>>, vector<16xf32>,
          tpu.vector_store %arg17[%swap3A], %unpack3A {strides = array<i32>} : memref<8000xf32, #tpu.memory_space<vmem>>, vector<16xf32>,
          %swap3A_215 = arith.index_cast %add3A_211 : i32 to index
          %swap3A_216 = tpu.vector_load %arg19[%swap3A_215] {strides = array<i32>} : memref<8000xf32, #tpu.memory_space<vmem>>, vector<16xf32>,
          tpu.vector_store %arg19[%swap3A_215], %unpack3A_213 {strides = array<i32>} : memref<8000xf32, #tpu.memory_space<vmem>>, vector<16xf32>,
          %mul3A_217 = arith.constant 64 : i32
          %mul3A_218 = arith.muli %scan3A_207, %mul3A_217 : i32
          %add3A_219 = arith.constant 16 : i32
          %add3A_220 = arith.addi %mul3A_218, %add3A_219 : i32
          %get3A_221 = arith.index_cast %add3A_220 : i32 to index
          %get3A_222 = tpu.vector_load %arg17[%get3A_221] {strides = array<i32>} : memref<8000xf32, #tpu.memory_space<vmem>>, vector<16xf32>,
          %bitcast3A_223 = vector.bitcast %get3A_222 : vector<16xf32> to vector<32xbf16>
          %unpack3A_224 = tpu.unpack_subelements %bitcast3A_223, 0 {pack_format = #tpu.pack_format<interleaved>} : vector<32xbf16> -> vector<16xf32>
          %unpack3A_225 = tpu.unpack_subelements %bitcast3A_223, 1 {pack_format = #tpu.pack_format<interleaved>} : vector<32xbf16> -> vector<16xf32>
          %swap3A_226 = arith.index_cast %add3A_220 : i32 to index
          %swap3A_227 = tpu.vector_load %arg17[%swap3A_226] {strides = array<i32>} : memref<8000xf32, #tpu.memory_space<vmem>>, vector<16xf32>,
          tpu.vector_store %arg17[%swap3A_226], %unpack3A_224 {strides = array<i32>} : memref<8000xf32, #tpu.memory_space<vmem>>, vector<16xf32>,
          %swap3A_228 = arith.index_cast %add3A_220 : i32 to index
          %swap3A_229 = tpu.vector_load %arg19[%swap3A_228] {strides = array<i32>} : memref<8000xf32, #tpu.memory_space<vmem>>, vector<16xf32>,
          tpu.vector_store %arg19[%swap3A_228], %unpack3A_225 {strides = array<i32>} : memref<8000xf32, #tpu.memory_space<vmem>>, vector<16xf32>,
          %mul3A_230 = arith.constant 64 : i32
          %mul3A_231 = arith.muli %scan3A_207, %mul3A_230 : i32
          %add3A_232 = arith.constant 32 : i32
          %add3A_233 = arith.addi %mul3A_231, %add3A_232 : i32
          %get3A_234 = arith.index_cast %add3A_233 : i32 to index
          %get3A_235 = tpu.vector_load %arg17[%get3A_234] {strides = array<i32>} : memref<8000xf32, #tpu.memory_space<vmem>>, vector<16xf32>,
          %bitcast3A_236 = vector.bitcast %get3A_235 : vector<16xf32> to vector<32xbf16>
          %unpack3A_237 = tpu.unpack_subelements %bitcast3A_236, 0 {pack_format = #tpu.pack_format<interleaved>} : vector<32xbf16> -> vector<16xf32>
          %unpack3A_238 = tpu.unpack_subelements %bitcast3A_236, 1 {pack_format = #tpu.pack_format<interleaved>} : vector<32xbf16> -> vector<16xf32>
          %swap3A_239 = arith.index_cast %add3A_233 : i32 to index
          %swap3A_240 = tpu.vector_load %arg17[%swap3A_239] {strides = array<i32>} : memref<8000xf32, #tpu.memory_space<vmem>>, vector<16xf32>,
          tpu.vector_store %arg17[%swap3A_239], %unpack3A_237 {strides = array<i32>} : memref<8000xf32, #tpu.memory_space<vmem>>, vector<16xf32>,
          %swap3A_241 = arith.index_cast %add3A_233 : i32 to index
          %swap3A_242 = tpu.vector_load %arg19[%swap3A_241] {strides = array<i32>} : memref<8000xf32, #tpu.memory_space<vmem>>, vector<16xf32>,
          tpu.vector_store %arg19[%swap3A_241], %unpack3A_238 {strides = array<i32>} : memref<8000xf32, #tpu.memory_space<vmem>>, vector<16xf32>,
          %mul3A_243 = arith.constant 64 : i32
          %mul3A_244 = arith.muli %scan3A_207, %mul3A_243 : i32
          %add3A_245 = arith.constant 48 : i32
          %add3A_246 = arith.addi %mul3A_244, %add3A_245 : i32
          %get3A_247 = arith.index_cast %add3A_246 : i32 to index
          %get3A_248 = tpu.vector_load %arg17[%get3A_247] {strides = array<i32>} : memref<8000xf32, #tpu.memory_space<vmem>>, vector<16xf32>,
          %bitcast3A_249 = vector.bitcast %get3A_248 : vector<16xf32> to vector<32xbf16>
          %unpack3A_250 = tpu.unpack_subelements %bitcast3A_249, 0 {pack_format = #tpu.pack_format<interleaved>} : vector<32xbf16> -> vector<16xf32>
          %unpack3A_251 = tpu.unpack_subelements %bitcast3A_249, 1 {pack_format = #tpu.pack_format<interleaved>} : vector<32xbf16> -> vector<16xf32>
          %swap3A_252 = arith.index_cast %add3A_246 : i32 to index
          %swap3A_253 = tpu.vector_load %arg17[%swap3A_252] {strides = array<i32>} : memref<8000xf32, #tpu.memory_space<vmem>>, vector<16xf32>,
          tpu.vector_store %arg17[%swap3A_252], %unpack3A_250 {strides = array<i32>} : memref<8000xf32, #tpu.memory_space<vmem>>, vector<16xf32>,
          %swap3A_254 = arith.index_cast %add3A_246 : i32 to index
          %swap3A_255 = tpu.vector_load %arg19[%swap3A_254] {strides = array<i32>} : memref<8000xf32, #tpu.memory_space<vmem>>, vector<16xf32>,
          tpu.vector_store %arg19[%swap3A_254], %unpack3A_251 {strides = array<i32>} : memref<8000xf32, #tpu.memory_space<vmem>>, vector<16xf32>,
        }
        %scan3A_100 = arith.constant 125 : i32
        %ge3A = arith.constant 1 : i32
        %ge3A_101 = arith.cmpi sge, %add3A_62, %ge3A : i32
        %convert_element_type3A_102 = arith.extui %ge3A_101 : i1 to i32
        %cond3A_103 = arith.constant 0 : i32
        %cond3A_104 = arith.cmpi ne, %convert_element_type3A_102, %cond3A_103 : i32
        scf.if %cond3A_104 {
          %dma_wait3A_207 = arith.constant 0 : i32
          %dma_wait3A_208 = tpu.memref_slice %arg10[%dma_wait3A_207] : memref<102400xf32, #tpu.memory_space<vmem_shared>> -> memref<102400xf32, #tpu.memory_space<vmem_shared>>
          tpu.wait_indirect_dma semaphore(%arg28 : memref<!tpu.dma_semaphore, #tpu.memory_space<semaphore_mem>>) src(%arg18 : memref<8000xf32, #tpu.memory_space<vmem>>) dst(%dma_wait3A_208 : memref<102400xf32, #tpu.memory_space<vmem_shared>>)
          %dma_wait3A_209 = arith.constant 0 : i32
          %dma_wait3A_210 = tpu.memref_slice %arg11[%dma_wait3A_209] : memref<102400xf32, #tpu.memory_space<vmem_shared>> -> memref<102400xf32, #tpu.memory_space<vmem_shared>>
          tpu.wait_indirect_dma semaphore(%arg28 : memref<!tpu.dma_semaphore, #tpu.memory_space<semaphore_mem>>) src(%arg20 : memref<8000xf32, #tpu.memory_space<vmem>>) dst(%dma_wait3A_210 : memref<102400xf32, #tpu.memory_space<vmem_shared>>)
        } else {
        }
        %eq3A_105 = arith.constant 0 : i32
        %eq3A_106 = arith.cmpi eq, %scan3A_10, %eq3A_105 : i32
        %ge3A_107 = arith.constant 1 : i32
        %ge3A_108 = arith.cmpi sge, %add3A_62, %ge3A_107 : i32
        %and3A = arith.andi %eq3A_106, %ge3A_108 : i1
        %convert_element_type3A_109 = arith.extui %and3A : i1 to i32
        %cond3A_110 = arith.constant 0 : i32
        %cond3A_111 = arith.cmpi ne, %convert_element_type3A_109, %cond3A_110 : i32
        scf.if %cond3A_111 {
          %dma_wait3A_207 = arith.constant 0 : i32
          %dma_wait3A_208 = tpu.memref_slice %arg12[%dma_wait3A_207] : memref<102400xf32, #tpu.memory_space<vmem_shared>> -> memref<102400xf32, #tpu.memory_space<vmem_shared>>
          tpu.wait_indirect_dma semaphore(%arg30 : memref<!tpu.dma_semaphore, #tpu.memory_space<semaphore_mem>>) src(%arg21 : memref<8000xf32, #tpu.memory_space<vmem>>) dst(%dma_wait3A_208 : memref<102400xf32, #tpu.memory_space<vmem_shared>>)
        } else {
        }
        %add3A_112 = arith.constant 1 : i32
        %add3A_113 = arith.addi %add3A_62, %add3A_112 : i32
        %min3A_114 = arith.constant 49 : i32
        %min3A_115 = arith.minsi %add3A_113, %min3A_114 : i32
        %mul3A_116 = arith.constant 8000 : i32
        %mul3A_117 = arith.muli %min3A_115, %mul3A_116 : i32
        %add3A_118 = arith.addi %add3A, %mul3A_117 : i32
        %dma_start3A_119 = tpu.memref_slice %arg3[%add3A_118] : memref<12800000xi32, #tpu.memory_space<hbm>> -> memref<8000xi32, #tpu.memory_space<hbm>>
        %dma_start3A_120 = tpu.memref_slice %arg3[%add3A_118] : memref<12800000xi32, #tpu.memory_space<hbm>> -> memref<8000xi32, #tpu.memory_space<hbm>>
        tpu.enqueue_dma source(%dma_start3A_120 : memref<8000xi32, #tpu.memory_space<hbm>>) target(%arg14 : memref<8000xi32, #tpu.memory_space<vmem>>) target_semaphore(%arg24 : memref<!tpu.dma_semaphore, #tpu.memory_space<semaphore_mem>>)
        %dma_start3A_121 = tpu.memref_slice %arg4[%add3A_118] : memref<12800000xi32, #tpu.memory_space<hbm>> -> memref<8000xi32, #tpu.memory_space<hbm>>
        %dma_start3A_122 = tpu.memref_slice %arg4[%add3A_118] : memref<12800000xi32, #tpu.memory_space<hbm>> -> memref<8000xi32, #tpu.memory_space<hbm>>
        tpu.enqueue_dma source(%dma_start3A_122 : memref<8000xi32, #tpu.memory_space<hbm>>) target(%arg16 : memref<8000xi32, #tpu.memory_space<vmem>>) target_semaphore(%arg24 : memref<!tpu.dma_semaphore, #tpu.memory_space<semaphore_mem>>)
        %dma_start3A_123 = arith.constant 0 : i32
        %dma_start3A_124 = tpu.memref_slice %arg10[%dma_start3A_123] : memref<102400xf32, #tpu.memory_space<vmem_shared>> -> memref<102400xf32, #tpu.memory_space<vmem_shared>>
        tpu.enqueue_indirect_dma source(%arg17 : memref<8000xf32, #tpu.memory_space<vmem>>) target(%dma_start3A_124 : memref<102400xf32, #tpu.memory_space<vmem_shared>>) offsets(%arg15 : memref<8000xi32, #tpu.memory_space<vmem>>) semaphore(%arg27 : memref<!tpu.dma_semaphore, #tpu.memory_space<semaphore_mem>>) {add = true}
        %dma_start3A_125 = arith.constant 0 : i32
        %dma_start3A_126 = tpu.memref_slice %arg11[%dma_start3A_125] : memref<102400xf32, #tpu.memory_space<vmem_shared>> -> memref<102400xf32, #tpu.memory_space<vmem_shared>>
        tpu.enqueue_indirect_dma source(%arg19 : memref<8000xf32, #tpu.memory_space<vmem>>) target(%dma_start3A_126 : memref<102400xf32, #tpu.memory_space<vmem_shared>>) offsets(%arg15 : memref<8000xi32, #tpu.memory_space<vmem>>) semaphore(%arg27 : memref<!tpu.dma_semaphore, #tpu.memory_space<semaphore_mem>>) {add = true}
        %eq3A_127 = arith.constant 0 : i32
        %eq3A_128 = arith.cmpi eq, %scan3A_10, %eq3A_127 : i32
        %convert_element_type3A_129 = arith.extui %eq3A_128 : i1 to i32
        %cond3A_130 = arith.constant 0 : i32
        %cond3A_131 = arith.cmpi ne, %convert_element_type3A_129, %cond3A_130 : i32
        scf.if %cond3A_131 {
          %dma_start3A_207 = arith.constant 0 : i32
          %dma_start3A_208 = tpu.memref_slice %arg12[%dma_start3A_207] : memref<102400xf32, #tpu.memory_space<vmem_shared>> -> memref<102400xf32, #tpu.memory_space<vmem_shared>>
          tpu.enqueue_indirect_dma source(%arg21 : memref<8000xf32, #tpu.memory_space<vmem>>) target(%dma_start3A_208 : memref<102400xf32, #tpu.memory_space<vmem_shared>>) offsets(%arg15 : memref<8000xi32, #tpu.memory_space<vmem>>) semaphore(%arg29 : memref<!tpu.dma_semaphore, #tpu.memory_space<semaphore_mem>>) {add = true}
        } else {
        }
        %mul3A_132 = arith.constant 2 : i32
        %mul3A_133 = arith.muli %mul3A_132, %scan3A_58 : i32
        %add3A_134 = arith.constant 1 : i32
        %add3A_135 = arith.addi %mul3A_133, %add3A_134 : i32
        %dma_wait3A_136 = arith.constant 0 : i32
        %dma_wait3A_137 = tpu.memref_slice %arg3[%dma_wait3A_136] : memref<12800000xi32, #tpu.memory_space<hbm>> -> memref<8000xi32, #tpu.memory_space<hbm>>
        %dma_wait3A_138 = arith.constant 0 : i32
        %dma_wait3A_139 = tpu.memref_slice %arg3[%dma_wait3A_138] : memref<12800000xi32, #tpu.memory_space<hbm>> -> memref<8000xi32, #tpu.memory_space<hbm>>
        tpu.wait_dma2 semaphore(%arg24 : memref<!tpu.dma_semaphore, #tpu.memory_space<semaphore_mem>>) src(%dma_wait3A_139 : memref<8000xi32, #tpu.memory_space<hbm>>) dst(%arg14 : memref<8000xi32, #tpu.memory_space<vmem>>)
        %dma_wait3A_140 = arith.constant 0 : i32
        %dma_wait3A_141 = tpu.memref_slice %arg4[%dma_wait3A_140] : memref<12800000xi32, #tpu.memory_space<hbm>> -> memref<8000xi32, #tpu.memory_space<hbm>>
        %dma_wait3A_142 = arith.constant 0 : i32
        %dma_wait3A_143 = tpu.memref_slice %arg4[%dma_wait3A_142] : memref<12800000xi32, #tpu.memory_space<hbm>> -> memref<8000xi32, #tpu.memory_space<hbm>>
        tpu.wait_dma2 semaphore(%arg24 : memref<!tpu.dma_semaphore, #tpu.memory_space<semaphore_mem>>) src(%dma_wait3A_143 : memref<8000xi32, #tpu.memory_space<hbm>>) dst(%arg16 : memref<8000xi32, #tpu.memory_space<vmem>>)
        %dma_start3A_144 = arith.constant 0 : i32
        %dma_start3A_145 = tpu.memref_slice %arg18[%dma_start3A_144] : memref<8000xf32, #tpu.memory_space<vmem>> -> memref<4000xf32, #tpu.memory_space<vmem>>
        %dma_start3A_146 = arith.constant 0 : i32
        %dma_start3A_147 = tpu.memref_slice %arg14[%dma_start3A_146] : memref<8000xi32, #tpu.memory_space<vmem>> -> memref<4000xi32, #tpu.memory_space<vmem>>
        %dma_start3A_148 = arith.constant 0 : i32
        %dma_start3A_149 = tpu.memref_slice %arg9[%dma_start3A_148] : memref<102400xf32, #tpu.memory_space<vmem_shared>> -> memref<102400xf32, #tpu.memory_space<vmem_shared>>
        tpu.enqueue_indirect_dma source(%dma_start3A_149 : memref<102400xf32, #tpu.memory_space<vmem_shared>>) target(%dma_start3A_145 : memref<4000xf32, #tpu.memory_space<vmem>>) offsets(%dma_start3A_147 : memref<4000xi32, #tpu.memory_space<vmem>>) semaphore(%arg26 : memref<!tpu.dma_semaphore, #tpu.memory_space<semaphore_mem>>)
        %dma_start3A_150 = arith.constant 4000 : i32
        %dma_start3A_151 = tpu.memref_slice %arg18[%dma_start3A_150] : memref<8000xf32, #tpu.memory_space<vmem>> -> memref<4000xf32, #tpu.memory_space<vmem>>
        %dma_start3A_152 = arith.constant 4000 : i32
        %dma_start3A_153 = tpu.memref_slice %arg14[%dma_start3A_152] : memref<8000xi32, #tpu.memory_space<vmem>> -> memref<4000xi32, #tpu.memory_space<vmem>>
        %dma_start3A_154 = arith.constant 0 : i32
        %dma_start3A_155 = tpu.memref_slice %arg9[%dma_start3A_154] : memref<102400xf32, #tpu.memory_space<vmem_shared>> -> memref<102400xf32, #tpu.memory_space<vmem_shared>>
        tpu.enqueue_indirect_dma source(%dma_start3A_155 : memref<102400xf32, #tpu.memory_space<vmem_shared>>) target(%dma_start3A_151 : memref<4000xf32, #tpu.memory_space<vmem>>) offsets(%dma_start3A_153 : memref<4000xi32, #tpu.memory_space<vmem>>) semaphore(%arg26 : memref<!tpu.dma_semaphore, #tpu.memory_space<semaphore_mem>>)
        %dma_wait3A_156 = arith.constant 0 : i32
        %dma_wait3A_157 = tpu.memref_slice %arg18[%dma_wait3A_156] : memref<8000xf32, #tpu.memory_space<vmem>> -> memref<4000xf32, #tpu.memory_space<vmem>>
        %dma_wait3A_158 = arith.constant 0 : i32
        %dma_wait3A_159 = tpu.memref_slice %arg14[%dma_wait3A_158] : memref<8000xi32, #tpu.memory_space<vmem>> -> memref<4000xi32, #tpu.memory_space<vmem>>
        %dma_wait3A_160 = arith.constant 0 : i32
        %dma_wait3A_161 = tpu.memref_slice %arg9[%dma_wait3A_160] : memref<102400xf32, #tpu.memory_space<vmem_shared>> -> memref<102400xf32, #tpu.memory_space<vmem_shared>>
        tpu.wait_indirect_dma semaphore(%arg26 : memref<!tpu.dma_semaphore, #tpu.memory_space<semaphore_mem>>) src(%dma_wait3A_161 : memref<102400xf32, #tpu.memory_space<vmem_shared>>) dst(%dma_wait3A_157 : memref<4000xf32, #tpu.memory_space<vmem>>)
        %dma_wait3A_162 = arith.constant 4000 : i32
        %dma_wait3A_163 = tpu.memref_slice %arg18[%dma_wait3A_162] : memref<8000xf32, #tpu.memory_space<vmem>> -> memref<4000xf32, #tpu.memory_space<vmem>>
        %dma_wait3A_164 = arith.constant 4000 : i32
        %dma_wait3A_165 = tpu.memref_slice %arg14[%dma_wait3A_164] : memref<8000xi32, #tpu.memory_space<vmem>> -> memref<4000xi32, #tpu.memory_space<vmem>>
        %dma_wait3A_166 = arith.constant 0 : i32
        %dma_wait3A_167 = tpu.memref_slice %arg9[%dma_wait3A_166] : memref<102400xf32, #tpu.memory_space<vmem_shared>> -> memref<102400xf32, #tpu.memory_space<vmem_shared>>
        tpu.wait_indirect_dma semaphore(%arg26 : memref<!tpu.dma_semaphore, #tpu.memory_space<semaphore_mem>>) src(%dma_wait3A_167 : memref<102400xf32, #tpu.memory_space<vmem_shared>>) dst(%dma_wait3A_163 : memref<4000xf32, #tpu.memory_space<vmem>>)
        %scan3A_168 = arith.constant 0 : i32
        %scan3A_169 = arith.constant 0 : i32
        %scan3A_170 = arith.constant 125 : i32
        %scan3A_171 = arith.addi %scan3A_169, %scan3A_170 : i32
        %scan3A_172 = arith.constant 1 : i32
        scf.for %scan3A_207 = %scan3A_169 to %scan3A_171 step %scan3A_172  : i32 {
          %mul3A_208 = arith.constant 64 : i32
          %mul3A_209 = arith.muli %scan3A_207, %mul3A_208 : i32
          %add3A_210 = arith.constant 0 : i32
          %add3A_211 = arith.addi %mul3A_209, %add3A_210 : i32
          %get3A = arith.index_cast %add3A_211 : i32 to index
          %get3A_212 = tpu.vector_load %arg18[%get3A] {strides = array<i32>} : memref<8000xf32, #tpu.memory_space<vmem>>, vector<16xf32>,
          %bitcast3A = vector.bitcast %get3A_212 : vector<16xf32> to vector<32xbf16>
          %unpack3A = tpu.unpack_subelements %bitcast3A, 0 {pack_format = #tpu.pack_format<interleaved>} : vector<32xbf16> -> vector<16xf32>
          %unpack3A_213 = tpu.unpack_subelements %bitcast3A, 1 {pack_format = #tpu.pack_format<interleaved>} : vector<32xbf16> -> vector<16xf32>
          %swap3A = arith.index_cast %add3A_211 : i32 to index
          %swap3A_214 = tpu.vector_load %arg18[%swap3A] {strides = array<i32>} : memref<8000xf32, #tpu.memory_space<vmem>>, vector<16xf32>,
          tpu.vector_store %arg18[%swap3A], %unpack3A {strides = array<i32>} : memref<8000xf32, #tpu.memory_space<vmem>>, vector<16xf32>,
          %swap3A_215 = arith.index_cast %add3A_211 : i32 to index
          %swap3A_216 = tpu.vector_load %arg20[%swap3A_215] {strides = array<i32>} : memref<8000xf32, #tpu.memory_space<vmem>>, vector<16xf32>,
          tpu.vector_store %arg20[%swap3A_215], %unpack3A_213 {strides = array<i32>} : memref<8000xf32, #tpu.memory_space<vmem>>, vector<16xf32>,
          %mul3A_217 = arith.constant 64 : i32
          %mul3A_218 = arith.muli %scan3A_207, %mul3A_217 : i32
          %add3A_219 = arith.constant 16 : i32
          %add3A_220 = arith.addi %mul3A_218, %add3A_219 : i32
          %get3A_221 = arith.index_cast %add3A_220 : i32 to index
          %get3A_222 = tpu.vector_load %arg18[%get3A_221] {strides = array<i32>} : memref<8000xf32, #tpu.memory_space<vmem>>, vector<16xf32>,
          %bitcast3A_223 = vector.bitcast %get3A_222 : vector<16xf32> to vector<32xbf16>
          %unpack3A_224 = tpu.unpack_subelements %bitcast3A_223, 0 {pack_format = #tpu.pack_format<interleaved>} : vector<32xbf16> -> vector<16xf32>
          %unpack3A_225 = tpu.unpack_subelements %bitcast3A_223, 1 {pack_format = #tpu.pack_format<interleaved>} : vector<32xbf16> -> vector<16xf32>
          %swap3A_226 = arith.index_cast %add3A_220 : i32 to index
          %swap3A_227 = tpu.vector_load %arg18[%swap3A_226] {strides = array<i32>} : memref<8000xf32, #tpu.memory_space<vmem>>, vector<16xf32>,
          tpu.vector_store %arg18[%swap3A_226], %unpack3A_224 {strides = array<i32>} : memref<8000xf32, #tpu.memory_space<vmem>>, vector<16xf32>,
          %swap3A_228 = arith.index_cast %add3A_220 : i32 to index
          %swap3A_229 = tpu.vector_load %arg20[%swap3A_228] {strides = array<i32>} : memref<8000xf32, #tpu.memory_space<vmem>>, vector<16xf32>,
          tpu.vector_store %arg20[%swap3A_228], %unpack3A_225 {strides = array<i32>} : memref<8000xf32, #tpu.memory_space<vmem>>, vector<16xf32>,
          %mul3A_230 = arith.constant 64 : i32
          %mul3A_231 = arith.muli %scan3A_207, %mul3A_230 : i32
          %add3A_232 = arith.constant 32 : i32
          %add3A_233 = arith.addi %mul3A_231, %add3A_232 : i32
          %get3A_234 = arith.index_cast %add3A_233 : i32 to index
          %get3A_235 = tpu.vector_load %arg18[%get3A_234] {strides = array<i32>} : memref<8000xf32, #tpu.memory_space<vmem>>, vector<16xf32>,
          %bitcast3A_236 = vector.bitcast %get3A_235 : vector<16xf32> to vector<32xbf16>
          %unpack3A_237 = tpu.unpack_subelements %bitcast3A_236, 0 {pack_format = #tpu.pack_format<interleaved>} : vector<32xbf16> -> vector<16xf32>
          %unpack3A_238 = tpu.unpack_subelements %bitcast3A_236, 1 {pack_format = #tpu.pack_format<interleaved>} : vector<32xbf16> -> vector<16xf32>
          %swap3A_239 = arith.index_cast %add3A_233 : i32 to index
          %swap3A_240 = tpu.vector_load %arg18[%swap3A_239] {strides = array<i32>} : memref<8000xf32, #tpu.memory_space<vmem>>, vector<16xf32>,
          tpu.vector_store %arg18[%swap3A_239], %unpack3A_237 {strides = array<i32>} : memref<8000xf32, #tpu.memory_space<vmem>>, vector<16xf32>,
          %swap3A_241 = arith.index_cast %add3A_233 : i32 to index
          %swap3A_242 = tpu.vector_load %arg20[%swap3A_241] {strides = array<i32>} : memref<8000xf32, #tpu.memory_space<vmem>>, vector<16xf32>,
          tpu.vector_store %arg20[%swap3A_241], %unpack3A_238 {strides = array<i32>} : memref<8000xf32, #tpu.memory_space<vmem>>, vector<16xf32>,
          %mul3A_243 = arith.constant 64 : i32
          %mul3A_244 = arith.muli %scan3A_207, %mul3A_243 : i32
          %add3A_245 = arith.constant 48 : i32
          %add3A_246 = arith.addi %mul3A_244, %add3A_245 : i32
          %get3A_247 = arith.index_cast %add3A_246 : i32 to index
          %get3A_248 = tpu.vector_load %arg18[%get3A_247] {strides = array<i32>} : memref<8000xf32, #tpu.memory_space<vmem>>, vector<16xf32>,
          %bitcast3A_249 = vector.bitcast %get3A_248 : vector<16xf32> to vector<32xbf16>
          %unpack3A_250 = tpu.unpack_subelements %bitcast3A_249, 0 {pack_format = #tpu.pack_format<interleaved>} : vector<32xbf16> -> vector<16xf32>
          %unpack3A_251 = tpu.unpack_subelements %bitcast3A_249, 1 {pack_format = #tpu.pack_format<interleaved>} : vector<32xbf16> -> vector<16xf32>
          %swap3A_252 = arith.index_cast %add3A_246 : i32 to index
          %swap3A_253 = tpu.vector_load %arg18[%swap3A_252] {strides = array<i32>} : memref<8000xf32, #tpu.memory_space<vmem>>, vector<16xf32>,
          tpu.vector_store %arg18[%swap3A_252], %unpack3A_250 {strides = array<i32>} : memref<8000xf32, #tpu.memory_space<vmem>>, vector<16xf32>,
          %swap3A_254 = arith.index_cast %add3A_246 : i32 to index
          %swap3A_255 = tpu.vector_load %arg20[%swap3A_254] {strides = array<i32>} : memref<8000xf32, #tpu.memory_space<vmem>>, vector<16xf32>,
          tpu.vector_store %arg20[%swap3A_254], %unpack3A_251 {strides = array<i32>} : memref<8000xf32, #tpu.memory_space<vmem>>, vector<16xf32>,
        }
        %scan3A_173 = arith.constant 125 : i32
        %ge3A_174 = arith.constant 1 : i32
        %ge3A_175 = arith.cmpi sge, %add3A_135, %ge3A_174 : i32
        %convert_element_type3A_176 = arith.extui %ge3A_175 : i1 to i32
        %cond3A_177 = arith.constant 0 : i32
        %cond3A_178 = arith.cmpi ne, %convert_element_type3A_176, %cond3A_177 : i32
        scf.if %cond3A_178 {
          %dma_wait3A_207 = arith.constant 0 : i32
          %dma_wait3A_208 = tpu.memref_slice %arg10[%dma_wait3A_207] : memref<102400xf32, #tpu.memory_space<vmem_shared>> -> memref<102400xf32, #tpu.memory_space<vmem_shared>>
          tpu.wait_indirect_dma semaphore(%arg27 : memref<!tpu.dma_semaphore, #tpu.memory_space<semaphore_mem>>) src(%arg17 : memref<8000xf32, #tpu.memory_space<vmem>>) dst(%dma_wait3A_208 : memref<102400xf32, #tpu.memory_space<vmem_shared>>)
          %dma_wait3A_209 = arith.constant 0 : i32
          %dma_wait3A_210 = tpu.memref_slice %arg11[%dma_wait3A_209] : memref<102400xf32, #tpu.memory_space<vmem_shared>> -> memref<102400xf32, #tpu.memory_space<vmem_shared>>
          tpu.wait_indirect_dma semaphore(%arg27 : memref<!tpu.dma_semaphore, #tpu.memory_space<semaphore_mem>>) src(%arg19 : memref<8000xf32, #tpu.memory_space<vmem>>) dst(%dma_wait3A_210 : memref<102400xf32, #tpu.memory_space<vmem_shared>>)
        } else {
        }
        %eq3A_179 = arith.constant 0 : i32
        %eq3A_180 = arith.cmpi eq, %scan3A_10, %eq3A_179 : i32
        %ge3A_181 = arith.constant 1 : i32
        %ge3A_182 = arith.cmpi sge, %add3A_135, %ge3A_181 : i32
        %and3A_183 = arith.andi %eq3A_180, %ge3A_182 : i1
        %convert_element_type3A_184 = arith.extui %and3A_183 : i1 to i32
        %cond3A_185 = arith.constant 0 : i32
        %cond3A_186 = arith.cmpi ne, %convert_element_type3A_184, %cond3A_185 : i32
        scf.if %cond3A_186 {
          %dma_wait3A_207 = arith.constant 0 : i32
          %dma_wait3A_208 = tpu.memref_slice %arg12[%dma_wait3A_207] : memref<102400xf32, #tpu.memory_space<vmem_shared>> -> memref<102400xf32, #tpu.memory_space<vmem_shared>>
          tpu.wait_indirect_dma semaphore(%arg29 : memref<!tpu.dma_semaphore, #tpu.memory_space<semaphore_mem>>) src(%arg21 : memref<8000xf32, #tpu.memory_space<vmem>>) dst(%dma_wait3A_208 : memref<102400xf32, #tpu.memory_space<vmem_shared>>)
        } else {
        }
        %add3A_187 = arith.constant 1 : i32
        %add3A_188 = arith.addi %add3A_135, %add3A_187 : i32
        %min3A_189 = arith.constant 49 : i32
        %min3A_190 = arith.minsi %add3A_188, %min3A_189 : i32
        %mul3A_191 = arith.constant 8000 : i32
        %mul3A_192 = arith.muli %min3A_190, %mul3A_191 : i32
        %add3A_193 = arith.addi %add3A, %mul3A_192 : i32
        %dma_start3A_194 = tpu.memref_slice %arg3[%add3A_193] : memref<12800000xi32, #tpu.memory_space<hbm>> -> memref<8000xi32, #tpu.memory_space<hbm>>
        %dma_start3A_195 = tpu.memref_slice %arg3[%add3A_193] : memref<12800000xi32, #tpu.memory_space<hbm>> -> memref<8000xi32, #tpu.memory_space<hbm>>
        tpu.enqueue_dma source(%dma_start3A_195 : memref<8000xi32, #tpu.memory_space<hbm>>) target(%arg13 : memref<8000xi32, #tpu.memory_space<vmem>>) target_semaphore(%arg23 : memref<!tpu.dma_semaphore, #tpu.memory_space<semaphore_mem>>)
        %dma_start3A_196 = tpu.memref_slice %arg4[%add3A_193] : memref<12800000xi32, #tpu.memory_space<hbm>> -> memref<8000xi32, #tpu.memory_space<hbm>>
        %dma_start3A_197 = tpu.memref_slice %arg4[%add3A_193] : memref<12800000xi32, #tpu.memory_space<hbm>> -> memref<8000xi32, #tpu.memory_space<hbm>>
        tpu.enqueue_dma source(%dma_start3A_197 : memref<8000xi32, #tpu.memory_space<hbm>>) target(%arg15 : memref<8000xi32, #tpu.memory_space<vmem>>) target_semaphore(%arg23 : memref<!tpu.dma_semaphore, #tpu.memory_space<semaphore_mem>>)
        %dma_start3A_198 = arith.constant 0 : i32
        %dma_start3A_199 = tpu.memref_slice %arg10[%dma_start3A_198] : memref<102400xf32, #tpu.memory_space<vmem_shared>> -> memref<102400xf32, #tpu.memory_space<vmem_shared>>
        tpu.enqueue_indirect_dma source(%arg18 : memref<8000xf32, #tpu.memory_space<vmem>>) target(%dma_start3A_199 : memref<102400xf32, #tpu.memory_space<vmem_shared>>) offsets(%arg16 : memref<8000xi32, #tpu.memory_space<vmem>>) semaphore(%arg28 : memref<!tpu.dma_semaphore, #tpu.memory_space<semaphore_mem>>) {add = true}
        %dma_start3A_200 = arith.constant 0 : i32
        %dma_start3A_201 = tpu.memref_slice %arg11[%dma_start3A_200] : memref<102400xf32, #tpu.memory_space<vmem_shared>> -> memref<102400xf32, #tpu.memory_space<vmem_shared>>
        tpu.enqueue_indirect_dma source(%arg20 : memref<8000xf32, #tpu.memory_space<vmem>>) target(%dma_start3A_201 : memref<102400xf32, #tpu.memory_space<vmem_shared>>) offsets(%arg16 : memref<8000xi32, #tpu.memory_space<vmem>>) semaphore(%arg28 : memref<!tpu.dma_semaphore, #tpu.memory_space<semaphore_mem>>) {add = true}
        %eq3A_202 = arith.constant 0 : i32
        %eq3A_203 = arith.cmpi eq, %scan3A_10, %eq3A_202 : i32
        %convert_element_type3A_204 = arith.extui %eq3A_203 : i1 to i32
        %cond3A_205 = arith.constant 0 : i32
        %cond3A_206 = arith.cmpi ne, %convert_element_type3A_204, %cond3A_205 : i32
        scf.if %cond3A_206 {
          %dma_start3A_207 = arith.constant 0 : i32
          %dma_start3A_208 = tpu.memref_slice %arg12[%dma_start3A_207] : memref<102400xf32, #tpu.memory_space<vmem_shared>> -> memref<102400xf32, #tpu.memory_space<vmem_shared>>
          tpu.enqueue_indirect_dma source(%arg21 : memref<8000xf32, #tpu.memory_space<vmem>>) target(%dma_start3A_208 : memref<102400xf32, #tpu.memory_space<vmem_shared>>) offsets(%arg16 : memref<8000xi32, #tpu.memory_space<vmem>>) semaphore(%arg30 : memref<!tpu.dma_semaphore, #tpu.memory_space<semaphore_mem>>) {add = true}
        } else {
        }
      }
      %scan3A_25 = arith.constant 25 : i32
      %dma_wait3A = arith.constant 0 : i32
      %dma_wait3A_26 = tpu.memref_slice %arg10[%dma_wait3A] : memref<102400xf32, #tpu.memory_space<vmem_shared>> -> memref<102400xf32, #tpu.memory_space<vmem_shared>>
      tpu.wait_indirect_dma semaphore(%arg28 : memref<!tpu.dma_semaphore, #tpu.memory_space<semaphore_mem>>) src(%arg18 : memref<8000xf32, #tpu.memory_space<vmem>>) dst(%dma_wait3A_26 : memref<102400xf32, #tpu.memory_space<vmem_shared>>)
      %dma_wait3A_27 = arith.constant 0 : i32
      %dma_wait3A_28 = tpu.memref_slice %arg11[%dma_wait3A_27] : memref<102400xf32, #tpu.memory_space<vmem_shared>> -> memref<102400xf32, #tpu.memory_space<vmem_shared>>
      tpu.wait_indirect_dma semaphore(%arg28 : memref<!tpu.dma_semaphore, #tpu.memory_space<semaphore_mem>>) src(%arg20 : memref<8000xf32, #tpu.memory_space<vmem>>) dst(%dma_wait3A_28 : memref<102400xf32, #tpu.memory_space<vmem_shared>>)
      %dma_wait3A_29 = arith.constant 0 : i32
      %dma_wait3A_30 = tpu.memref_slice %arg3[%dma_wait3A_29] : memref<12800000xi32, #tpu.memory_space<hbm>> -> memref<8000xi32, #tpu.memory_space<hbm>>
      %dma_wait3A_31 = arith.constant 0 : i32
      %dma_wait3A_32 = tpu.memref_slice %arg3[%dma_wait3A_31] : memref<12800000xi32, #tpu.memory_space<hbm>> -> memref<8000xi32, #tpu.memory_space<hbm>>
      tpu.wait_dma2 semaphore(%arg23 : memref<!tpu.dma_semaphore, #tpu.memory_space<semaphore_mem>>) src(%dma_wait3A_32 : memref<8000xi32, #tpu.memory_space<hbm>>) dst(%arg13 : memref<8000xi32, #tpu.memory_space<vmem>>)
      %dma_wait3A_33 = arith.constant 0 : i32
      %dma_wait3A_34 = tpu.memref_slice %arg4[%dma_wait3A_33] : memref<12800000xi32, #tpu.memory_space<hbm>> -> memref<8000xi32, #tpu.memory_space<hbm>>
      %dma_wait3A_35 = arith.constant 0 : i32
      %dma_wait3A_36 = tpu.memref_slice %arg4[%dma_wait3A_35] : memref<12800000xi32, #tpu.memory_space<hbm>> -> memref<8000xi32, #tpu.memory_space<hbm>>
      tpu.wait_dma2 semaphore(%arg23 : memref<!tpu.dma_semaphore, #tpu.memory_space<semaphore_mem>>) src(%dma_wait3A_36 : memref<8000xi32, #tpu.memory_space<hbm>>) dst(%arg15 : memref<8000xi32, #tpu.memory_space<vmem>>)
      %eq3A = arith.constant 0 : i32
      %eq3A_37 = arith.cmpi eq, %scan3A_10, %eq3A : i32
      %convert_element_type3A = arith.extui %eq3A_37 : i1 to i32
      %cond3A = arith.constant 0 : i32
      %cond3A_38 = arith.cmpi ne, %convert_element_type3A, %cond3A : i32
      scf.if %cond3A_38 {
        %dma_wait3A_58 = arith.constant 0 : i32
        %dma_wait3A_59 = tpu.memref_slice %arg12[%dma_wait3A_58] : memref<102400xf32, #tpu.memory_space<vmem_shared>> -> memref<102400xf32, #tpu.memory_space<vmem_shared>>
        tpu.wait_indirect_dma semaphore(%arg30 : memref<!tpu.dma_semaphore, #tpu.memory_space<semaphore_mem>>) src(%arg21 : memref<8000xf32, #tpu.memory_space<vmem>>) dst(%dma_wait3A_59 : memref<102400xf32, #tpu.memory_space<vmem_shared>>)
      } else {
      }
      %barrier3A_39 = arith.constant 0 : index
      tpu.barrier barrier_id(%barrier3A_39)
      %eq3A_40 = arith.constant 0 : i32
      %eq3A_41 = arith.cmpi eq, %scan3A_10, %eq3A_40 : i32
      %convert_element_type3A_42 = arith.extui %eq3A_41 : i1 to i32
      %cond3A_43 = arith.constant 0 : i32
      %cond3A_44 = arith.cmpi ne, %convert_element_type3A_42, %cond3A_43 : i32
      scf.if %cond3A_44 {
        "tpu.region"() ({
          %run_scoped3A = tpu.sem_alloc : memref<!tpu.dma_semaphore, #tpu.memory_space<semaphore_mem>>
          %dma_start3A_64 = arith.constant 0 : i32
          %dma_start3A_65 = tpu.memref_slice %arg18[%dma_start3A_64] : memref<8000xf32, #tpu.memory_space<vmem>> -> memref<6400xf32, #tpu.memory_space<vmem>>
          %dma_start3A_66 = tpu.memref_slice %arg12[%mul3A_0] : memref<102400xf32, #tpu.memory_space<vmem_shared>> -> memref<6400xf32, #tpu.memory_space<vmem_shared>>
          %dma_start3A_67 = arith.constant 0 : i32
          %dma_start3A_68 = tpu.memref_slice %arg18[%dma_start3A_67] : memref<8000xf32, #tpu.memory_space<vmem>> -> memref<6400xf32, #tpu.memory_space<vmem>>
          %dma_start3A_69 = tpu.memref_slice %arg12[%mul3A_0] : memref<102400xf32, #tpu.memory_space<vmem_shared>> -> memref<6400xf32, #tpu.memory_space<vmem_shared>>
          tpu.enqueue_dma source(%dma_start3A_69 : memref<6400xf32, #tpu.memory_space<vmem_shared>>) target(%dma_start3A_68 : memref<6400xf32, #tpu.memory_space<vmem>>) target_semaphore(%run_scoped3A : memref<!tpu.dma_semaphore, #tpu.memory_space<semaphore_mem>>)
          %dma_wait3A_70 = arith.constant 0 : i32
          %dma_wait3A_71 = tpu.memref_slice %arg18[%dma_wait3A_70] : memref<8000xf32, #tpu.memory_space<vmem>> -> memref<6400xf32, #tpu.memory_space<vmem>>
          %dma_wait3A_72 = tpu.memref_slice %arg12[%mul3A_0] : memref<102400xf32, #tpu.memory_space<vmem_shared>> -> memref<6400xf32, #tpu.memory_space<vmem_shared>>
          %dma_wait3A_73 = arith.constant 0 : i32
          %dma_wait3A_74 = tpu.memref_slice %arg18[%dma_wait3A_73] : memref<8000xf32, #tpu.memory_space<vmem>> -> memref<6400xf32, #tpu.memory_space<vmem>>
          %dma_wait3A_75 = tpu.memref_slice %arg12[%mul3A_0] : memref<102400xf32, #tpu.memory_space<vmem_shared>> -> memref<6400xf32, #tpu.memory_space<vmem_shared>>
          tpu.wait_dma2 semaphore(%run_scoped3A : memref<!tpu.dma_semaphore, #tpu.memory_space<semaphore_mem>>) src(%dma_wait3A_75 : memref<6400xf32, #tpu.memory_space<vmem_shared>>) dst(%dma_wait3A_74 : memref<6400xf32, #tpu.memory_space<vmem>>)
          tpu.yield
        }) : () -> ()
        %scan3A_58 = arith.constant 0 : i32
        %scan3A_59 = arith.constant 0 : i32
        %scan3A_60 = arith.constant 400 : i32
        %scan3A_61 = arith.addi %scan3A_59, %scan3A_60 : i32
        %scan3A_62 = arith.constant 1 : i32
        scf.for %scan3A_64 = %scan3A_59 to %scan3A_61 step %scan3A_62  : i32 {
          %mul3A_65 = arith.constant 16 : i32
          %mul3A_66 = arith.muli %scan3A_64, %mul3A_65 : i32
          %get3A = arith.index_cast %mul3A_66 : i32 to index
          %get3A_67 = tpu.vector_load %arg18[%get3A] {strides = array<i32>} : memref<8000xf32, #tpu.memory_space<vmem>>, vector<16xf32>,
          %max3A = arith.constant 1.000000e+00 : f32
          %max3A_68 = vector.broadcast %max3A : f32 to vector<16xf32>
          %max3A_69 = arith.maximumf %get3A_67, %max3A_68 : vector<16xf32>
          %div3A = arith.constant 1.000000e+00 : f32
          %div3A_70 = vector.broadcast %div3A : f32 to vector<16xf32>
          %div3A_71 = arith.divf %div3A_70, %max3A_69 : vector<16xf32>
          %swap3A = arith.index_cast %mul3A_66 : i32 to index
          %swap3A_72 = tpu.vector_load %arg18[%swap3A] {strides = array<i32>} : memref<8000xf32, #tpu.memory_space<vmem>>, vector<16xf32>,
          tpu.vector_store %arg18[%swap3A], %div3A_71 {strides = array<i32>} : memref<8000xf32, #tpu.memory_space<vmem>>, vector<16xf32>,
        }
        %scan3A_63 = arith.constant 400 : i32
        "tpu.region"() ({
          %run_scoped3A = tpu.sem_alloc : memref<!tpu.dma_semaphore, #tpu.memory_space<semaphore_mem>>
          %dma_start3A_64 = arith.constant 0 : i32
          %dma_start3A_65 = tpu.memref_slice %arg18[%dma_start3A_64] : memref<8000xf32, #tpu.memory_space<vmem>> -> memref<6400xf32, #tpu.memory_space<vmem>>
          %dma_start3A_66 = tpu.memref_slice %arg12[%mul3A_0] : memref<102400xf32, #tpu.memory_space<vmem_shared>> -> memref<6400xf32, #tpu.memory_space<vmem_shared>>
          %dma_start3A_67 = tpu.memref_slice %arg12[%mul3A_0] : memref<102400xf32, #tpu.memory_space<vmem_shared>> -> memref<6400xf32, #tpu.memory_space<vmem_shared>>
          %dma_start3A_68 = arith.constant 0 : i32
          %dma_start3A_69 = tpu.memref_slice %arg18[%dma_start3A_68] : memref<8000xf32, #tpu.memory_space<vmem>> -> memref<6400xf32, #tpu.memory_space<vmem>>
          tpu.enqueue_dma source(%dma_start3A_69 : memref<6400xf32, #tpu.memory_space<vmem>>) target(%dma_start3A_67 : memref<6400xf32, #tpu.memory_space<vmem_shared>>) target_semaphore(%run_scoped3A : memref<!tpu.dma_semaphore, #tpu.memory_space<semaphore_mem>>)
          %dma_wait3A_70 = arith.constant 0 : i32
          %dma_wait3A_71 = tpu.memref_slice %arg18[%dma_wait3A_70] : memref<8000xf32, #tpu.memory_space<vmem>> -> memref<6400xf32, #tpu.memory_space<vmem>>
          %dma_wait3A_72 = tpu.memref_slice %arg12[%mul3A_0] : memref<102400xf32, #tpu.memory_space<vmem_shared>> -> memref<6400xf32, #tpu.memory_space<vmem_shared>>
          %dma_wait3A_73 = tpu.memref_slice %arg12[%mul3A_0] : memref<102400xf32, #tpu.memory_space<vmem_shared>> -> memref<6400xf32, #tpu.memory_space<vmem_shared>>
          %dma_wait3A_74 = arith.constant 0 : i32
          %dma_wait3A_75 = tpu.memref_slice %arg18[%dma_wait3A_74] : memref<8000xf32, #tpu.memory_space<vmem>> -> memref<6400xf32, #tpu.memory_space<vmem>>
          tpu.wait_dma2 semaphore(%run_scoped3A : memref<!tpu.dma_semaphore, #tpu.memory_space<semaphore_mem>>) src(%dma_wait3A_75 : memref<6400xf32, #tpu.memory_space<vmem>>) dst(%dma_wait3A_73 : memref<6400xf32, #tpu.memory_space<vmem_shared>>)
          tpu.yield
        }) : () -> ()
      } else {
      }
      "tpu.region"() ({
        %run_scoped3A = tpu.sem_alloc : memref<!tpu.dma_semaphore, #tpu.memory_space<semaphore_mem>>
        %dma_start3A_58 = arith.constant 0 : i32
        %dma_start3A_59 = tpu.memref_slice %arg17[%dma_start3A_58] : memref<8000xf32, #tpu.memory_space<vmem>> -> memref<6400xf32, #tpu.memory_space<vmem>>
        %dma_start3A_60 = tpu.memref_slice %arg10[%mul3A_0] : memref<102400xf32, #tpu.memory_space<vmem_shared>> -> memref<6400xf32, #tpu.memory_space<vmem_shared>>
        %dma_start3A_61 = arith.constant 0 : i32
        %dma_start3A_62 = tpu.memref_slice %arg17[%dma_start3A_61] : memref<8000xf32, #tpu.memory_space<vmem>> -> memref<6400xf32, #tpu.memory_space<vmem>>
        %dma_start3A_63 = tpu.memref_slice %arg10[%mul3A_0] : memref<102400xf32, #tpu.memory_space<vmem_shared>> -> memref<6400xf32, #tpu.memory_space<vmem_shared>>
        tpu.enqueue_dma source(%dma_start3A_63 : memref<6400xf32, #tpu.memory_space<vmem_shared>>) target(%dma_start3A_62 : memref<6400xf32, #tpu.memory_space<vmem>>) target_semaphore(%run_scoped3A : memref<!tpu.dma_semaphore, #tpu.memory_space<semaphore_mem>>)
        %dma_wait3A_64 = arith.constant 0 : i32
        %dma_wait3A_65 = tpu.memref_slice %arg17[%dma_wait3A_64] : memref<8000xf32, #tpu.memory_space<vmem>> -> memref<6400xf32, #tpu.memory_space<vmem>>
        %dma_wait3A_66 = tpu.memref_slice %arg10[%mul3A_0] : memref<102400xf32, #tpu.memory_space<vmem_shared>> -> memref<6400xf32, #tpu.memory_space<vmem_shared>>
        %dma_wait3A_67 = arith.constant 0 : i32
        %dma_wait3A_68 = tpu.memref_slice %arg17[%dma_wait3A_67] : memref<8000xf32, #tpu.memory_space<vmem>> -> memref<6400xf32, #tpu.memory_space<vmem>>
        %dma_wait3A_69 = tpu.memref_slice %arg10[%mul3A_0] : memref<102400xf32, #tpu.memory_space<vmem_shared>> -> memref<6400xf32, #tpu.memory_space<vmem_shared>>
        tpu.wait_dma2 semaphore(%run_scoped3A : memref<!tpu.dma_semaphore, #tpu.memory_space<semaphore_mem>>) src(%dma_wait3A_69 : memref<6400xf32, #tpu.memory_space<vmem_shared>>) dst(%dma_wait3A_68 : memref<6400xf32, #tpu.memory_space<vmem>>)
        tpu.yield
      }) : () -> ()
      "tpu.region"() ({
        %run_scoped3A = tpu.sem_alloc : memref<!tpu.dma_semaphore, #tpu.memory_space<semaphore_mem>>
        %dma_start3A_58 = arith.constant 0 : i32
        %dma_start3A_59 = tpu.memref_slice %arg19[%dma_start3A_58] : memref<8000xf32, #tpu.memory_space<vmem>> -> memref<6400xf32, #tpu.memory_space<vmem>>
        %dma_start3A_60 = tpu.memref_slice %arg11[%mul3A_0] : memref<102400xf32, #tpu.memory_space<vmem_shared>> -> memref<6400xf32, #tpu.memory_space<vmem_shared>>
        %dma_start3A_61 = arith.constant 0 : i32
        %dma_start3A_62 = tpu.memref_slice %arg19[%dma_start3A_61] : memref<8000xf32, #tpu.memory_space<vmem>> -> memref<6400xf32, #tpu.memory_space<vmem>>
        %dma_start3A_63 = tpu.memref_slice %arg11[%mul3A_0] : memref<102400xf32, #tpu.memory_space<vmem_shared>> -> memref<6400xf32, #tpu.memory_space<vmem_shared>>
        tpu.enqueue_dma source(%dma_start3A_63 : memref<6400xf32, #tpu.memory_space<vmem_shared>>) target(%dma_start3A_62 : memref<6400xf32, #tpu.memory_space<vmem>>) target_semaphore(%run_scoped3A : memref<!tpu.dma_semaphore, #tpu.memory_space<semaphore_mem>>)
        %dma_wait3A_64 = arith.constant 0 : i32
        %dma_wait3A_65 = tpu.memref_slice %arg19[%dma_wait3A_64] : memref<8000xf32, #tpu.memory_space<vmem>> -> memref<6400xf32, #tpu.memory_space<vmem>>
        %dma_wait3A_66 = tpu.memref_slice %arg11[%mul3A_0] : memref<102400xf32, #tpu.memory_space<vmem_shared>> -> memref<6400xf32, #tpu.memory_space<vmem_shared>>
        %dma_wait3A_67 = arith.constant 0 : i32
        %dma_wait3A_68 = tpu.memref_slice %arg19[%dma_wait3A_67] : memref<8000xf32, #tpu.memory_space<vmem>> -> memref<6400xf32, #tpu.memory_space<vmem>>
        %dma_wait3A_69 = tpu.memref_slice %arg11[%mul3A_0] : memref<102400xf32, #tpu.memory_space<vmem_shared>> -> memref<6400xf32, #tpu.memory_space<vmem_shared>>
        tpu.wait_dma2 semaphore(%run_scoped3A : memref<!tpu.dma_semaphore, #tpu.memory_space<semaphore_mem>>) src(%dma_wait3A_69 : memref<6400xf32, #tpu.memory_space<vmem_shared>>) dst(%dma_wait3A_68 : memref<6400xf32, #tpu.memory_space<vmem>>)
        tpu.yield
      }) : () -> ()
      "tpu.region"() ({
        %run_scoped3A = tpu.sem_alloc : memref<!tpu.dma_semaphore, #tpu.memory_space<semaphore_mem>>
        %dma_start3A_58 = arith.constant 0 : i32
        %dma_start3A_59 = tpu.memref_slice %arg18[%dma_start3A_58] : memref<8000xf32, #tpu.memory_space<vmem>> -> memref<6400xf32, #tpu.memory_space<vmem>>
        %dma_start3A_60 = tpu.memref_slice %arg12[%mul3A_0] : memref<102400xf32, #tpu.memory_space<vmem_shared>> -> memref<6400xf32, #tpu.memory_space<vmem_shared>>
        %dma_start3A_61 = arith.constant 0 : i32
        %dma_start3A_62 = tpu.memref_slice %arg18[%dma_start3A_61] : memref<8000xf32, #tpu.memory_space<vmem>> -> memref<6400xf32, #tpu.memory_space<vmem>>
        %dma_start3A_63 = tpu.memref_slice %arg12[%mul3A_0] : memref<102400xf32, #tpu.memory_space<vmem_shared>> -> memref<6400xf32, #tpu.memory_space<vmem_shared>>
        tpu.enqueue_dma source(%dma_start3A_63 : memref<6400xf32, #tpu.memory_space<vmem_shared>>) target(%dma_start3A_62 : memref<6400xf32, #tpu.memory_space<vmem>>) target_semaphore(%run_scoped3A : memref<!tpu.dma_semaphore, #tpu.memory_space<semaphore_mem>>)
        %dma_wait3A_64 = arith.constant 0 : i32
        %dma_wait3A_65 = tpu.memref_slice %arg18[%dma_wait3A_64] : memref<8000xf32, #tpu.memory_space<vmem>> -> memref<6400xf32, #tpu.memory_space<vmem>>
        %dma_wait3A_66 = tpu.memref_slice %arg12[%mul3A_0] : memref<102400xf32, #tpu.memory_space<vmem_shared>> -> memref<6400xf32, #tpu.memory_space<vmem_shared>>
        %dma_wait3A_67 = arith.constant 0 : i32
        %dma_wait3A_68 = tpu.memref_slice %arg18[%dma_wait3A_67] : memref<8000xf32, #tpu.memory_space<vmem>> -> memref<6400xf32, #tpu.memory_space<vmem>>
        %dma_wait3A_69 = tpu.memref_slice %arg12[%mul3A_0] : memref<102400xf32, #tpu.memory_space<vmem_shared>> -> memref<6400xf32, #tpu.memory_space<vmem_shared>>
        tpu.wait_dma2 semaphore(%run_scoped3A : memref<!tpu.dma_semaphore, #tpu.memory_space<semaphore_mem>>) src(%dma_wait3A_69 : memref<6400xf32, #tpu.memory_space<vmem_shared>>) dst(%dma_wait3A_68 : memref<6400xf32, #tpu.memory_space<vmem>>)
        tpu.yield
      }) : () -> ()
      %scan3A_45 = arith.constant 0 : i32
      %scan3A_46 = arith.constant 0 : i32
      %scan3A_47 = arith.constant 400 : i32
      %scan3A_48 = arith.addi %scan3A_46, %scan3A_47 : i32
      %scan3A_49 = arith.constant 1 : i32
      scf.for %scan3A_58 = %scan3A_46 to %scan3A_48 step %scan3A_49  : i32 {
        %mul3A_59 = arith.constant 16 : i32
        %mul3A_60 = arith.muli %scan3A_58, %mul3A_59 : i32
        %get3A = arith.index_cast %mul3A_60 : i32 to index
        %get3A_61 = tpu.vector_load %arg18[%get3A] {strides = array<i32>} : memref<8000xf32, #tpu.memory_space<vmem>>, vector<16xf32>,
        %get3A_62 = arith.index_cast %mul3A_60 : i32 to index
        %get3A_63 = tpu.vector_load %arg17[%get3A_62] {strides = array<i32>} : memref<8000xf32, #tpu.memory_space<vmem>>, vector<16xf32>,
        %mul3A_64 = arith.mulf %get3A_63, %get3A_61 : vector<16xf32>
        %get3A_65 = arith.index_cast %mul3A_60 : i32 to index
        %get3A_66 = tpu.vector_load %arg19[%get3A_65] {strides = array<i32>} : memref<8000xf32, #tpu.memory_space<vmem>>, vector<16xf32>,
        %mul3A_67 = arith.mulf %get3A_66, %get3A_61 : vector<16xf32>
        %swap3A = arith.index_cast %mul3A_60 : i32 to index
        %swap3A_68 = tpu.vector_load %arg17[%swap3A] {strides = array<i32>} : memref<8000xf32, #tpu.memory_space<vmem>>, vector<16xf32>,
        tpu.vector_store %arg17[%swap3A], %mul3A_64 {strides = array<i32>} : memref<8000xf32, #tpu.memory_space<vmem>>, vector<16xf32>,
        %swap3A_69 = arith.index_cast %mul3A_60 : i32 to index
        %swap3A_70 = tpu.vector_load %arg19[%swap3A_69] {strides = array<i32>} : memref<8000xf32, #tpu.memory_space<vmem>>, vector<16xf32>,
        tpu.vector_store %arg19[%swap3A_69], %mul3A_67 {strides = array<i32>} : memref<8000xf32, #tpu.memory_space<vmem>>, vector<16xf32>,
        %pack3A = tpu.pack_subelements %mul3A_64, %mul3A_67 {pack_format = #tpu.pack_format<interleaved>, positions = array<i32: 0, 1>} : vector<16xf32>, vector<16xf32> -> vector<32xbf16>
        %bitcast3A = vector.bitcast %pack3A : vector<32xbf16> to vector<16xf32>
        %swap3A_71 = arith.index_cast %mul3A_60 : i32 to index
        %swap3A_72 = tpu.vector_load %arg22[%swap3A_71] {strides = array<i32>} : memref<8000xf32, #tpu.memory_space<vmem>>, vector<16xf32>,
        tpu.vector_store %arg22[%swap3A_71], %bitcast3A {strides = array<i32>} : memref<8000xf32, #tpu.memory_space<vmem>>, vector<16xf32>,
      }
      %scan3A_50 = arith.constant 400 : i32
      %mul3A_51 = arith.constant 8 : i32
      %mul3A_52 = arith.muli %arg0, %mul3A_51 : i32
      %add3A_53 = arith.addi %mul3A_52, %scan3A_10 : i32
      %mul3A_54 = arith.constant 102400 : i32
      %mul3A_55 = arith.muli %add3A_53, %mul3A_54 : i32
      %add3A_56 = arith.addi %mul3A_55, %mul3A_0 : i32
      "tpu.region"() ({
        %run_scoped3A = tpu.sem_alloc : memref<!tpu.dma_semaphore, #tpu.memory_space<semaphore_mem>>
        %dma_start3A_58 = arith.constant 0 : i32
        %dma_start3A_59 = tpu.memref_slice %arg17[%dma_start3A_58] : memref<8000xf32, #tpu.memory_space<vmem>> -> memref<6400xf32, #tpu.memory_space<vmem>>
        %dma_start3A_60 = tpu.memref_slice %arg7[%add3A_56] : memref<1638400xf32, #tpu.memory_space<hbm>> -> memref<6400xf32, #tpu.memory_space<hbm>>
        %dma_start3A_61 = tpu.memref_slice %arg7[%add3A_56] : memref<1638400xf32, #tpu.memory_space<hbm>> -> memref<6400xf32, #tpu.memory_space<hbm>>
        %dma_start3A_62 = arith.constant 0 : i32
        %dma_start3A_63 = tpu.memref_slice %arg17[%dma_start3A_62] : memref<8000xf32, #tpu.memory_space<vmem>> -> memref<6400xf32, #tpu.memory_space<vmem>>
        tpu.enqueue_dma source(%dma_start3A_63 : memref<6400xf32, #tpu.memory_space<vmem>>) target(%dma_start3A_61 : memref<6400xf32, #tpu.memory_space<hbm>>) target_semaphore(%run_scoped3A : memref<!tpu.dma_semaphore, #tpu.memory_space<semaphore_mem>>)
        %dma_wait3A_64 = arith.constant 0 : i32
        %dma_wait3A_65 = tpu.memref_slice %arg17[%dma_wait3A_64] : memref<8000xf32, #tpu.memory_space<vmem>> -> memref<6400xf32, #tpu.memory_space<vmem>>
        %dma_wait3A_66 = tpu.memref_slice %arg7[%add3A_56] : memref<1638400xf32, #tpu.memory_space<hbm>> -> memref<6400xf32, #tpu.memory_space<hbm>>
        %dma_wait3A_67 = tpu.memref_slice %arg7[%add3A_56] : memref<1638400xf32, #tpu.memory_space<hbm>> -> memref<6400xf32, #tpu.memory_space<hbm>>
        %dma_wait3A_68 = arith.constant 0 : i32
        %dma_wait3A_69 = tpu.memref_slice %arg17[%dma_wait3A_68] : memref<8000xf32, #tpu.memory_space<vmem>> -> memref<6400xf32, #tpu.memory_space<vmem>>
        tpu.wait_dma2 semaphore(%run_scoped3A : memref<!tpu.dma_semaphore, #tpu.memory_space<semaphore_mem>>) src(%dma_wait3A_69 : memref<6400xf32, #tpu.memory_space<vmem>>) dst(%dma_wait3A_67 : memref<6400xf32, #tpu.memory_space<hbm>>)
        tpu.yield
      }) : () -> ()
      "tpu.region"() ({
        %run_scoped3A = tpu.sem_alloc : memref<!tpu.dma_semaphore, #tpu.memory_space<semaphore_mem>>
        %dma_start3A_58 = arith.constant 0 : i32
        %dma_start3A_59 = tpu.memref_slice %arg19[%dma_start3A_58] : memref<8000xf32, #tpu.memory_space<vmem>> -> memref<6400xf32, #tpu.memory_space<vmem>>
        %dma_start3A_60 = tpu.memref_slice %arg8[%add3A_56] : memref<1638400xf32, #tpu.memory_space<hbm>> -> memref<6400xf32, #tpu.memory_space<hbm>>
        %dma_start3A_61 = tpu.memref_slice %arg8[%add3A_56] : memref<1638400xf32, #tpu.memory_space<hbm>> -> memref<6400xf32, #tpu.memory_space<hbm>>
        %dma_start3A_62 = arith.constant 0 : i32
        %dma_start3A_63 = tpu.memref_slice %arg19[%dma_start3A_62] : memref<8000xf32, #tpu.memory_space<vmem>> -> memref<6400xf32, #tpu.memory_space<vmem>>
        tpu.enqueue_dma source(%dma_start3A_63 : memref<6400xf32, #tpu.memory_space<vmem>>) target(%dma_start3A_61 : memref<6400xf32, #tpu.memory_space<hbm>>) target_semaphore(%run_scoped3A : memref<!tpu.dma_semaphore, #tpu.memory_space<semaphore_mem>>)
        %dma_wait3A_64 = arith.constant 0 : i32
        %dma_wait3A_65 = tpu.memref_slice %arg19[%dma_wait3A_64] : memref<8000xf32, #tpu.memory_space<vmem>> -> memref<6400xf32, #tpu.memory_space<vmem>>
        %dma_wait3A_66 = tpu.memref_slice %arg8[%add3A_56] : memref<1638400xf32, #tpu.memory_space<hbm>> -> memref<6400xf32, #tpu.memory_space<hbm>>
        %dma_wait3A_67 = tpu.memref_slice %arg8[%add3A_56] : memref<1638400xf32, #tpu.memory_space<hbm>> -> memref<6400xf32, #tpu.memory_space<hbm>>
        %dma_wait3A_68 = arith.constant 0 : i32
        %dma_wait3A_69 = tpu.memref_slice %arg19[%dma_wait3A_68] : memref<8000xf32, #tpu.memory_space<vmem>> -> memref<6400xf32, #tpu.memory_space<vmem>>
        tpu.wait_dma2 semaphore(%run_scoped3A : memref<!tpu.dma_semaphore, #tpu.memory_space<semaphore_mem>>) src(%dma_wait3A_69 : memref<6400xf32, #tpu.memory_space<vmem>>) dst(%dma_wait3A_67 : memref<6400xf32, #tpu.memory_space<hbm>>)
        tpu.yield
      }) : () -> ()
      "tpu.region"() ({
        %run_scoped3A = tpu.sem_alloc : memref<!tpu.dma_semaphore, #tpu.memory_space<semaphore_mem>>
        %dma_start3A_58 = arith.constant 0 : i32
        %dma_start3A_59 = tpu.memref_slice %arg22[%dma_start3A_58] : memref<8000xf32, #tpu.memory_space<vmem>> -> memref<6400xf32, #tpu.memory_space<vmem>>
        %dma_start3A_60 = tpu.memref_slice %arg9[%mul3A_0] : memref<102400xf32, #tpu.memory_space<vmem_shared>> -> memref<6400xf32, #tpu.memory_space<vmem_shared>>
        %dma_start3A_61 = tpu.memref_slice %arg9[%mul3A_0] : memref<102400xf32, #tpu.memory_space<vmem_shared>> -> memref<6400xf32, #tpu.memory_space<vmem_shared>>
        %dma_start3A_62 = arith.constant 0 : i32
        %dma_start3A_63 = tpu.memref_slice %arg22[%dma_start3A_62] : memref<8000xf32, #tpu.memory_space<vmem>> -> memref<6400xf32, #tpu.memory_space<vmem>>
        tpu.enqueue_dma source(%dma_start3A_63 : memref<6400xf32, #tpu.memory_space<vmem>>) target(%dma_start3A_61 : memref<6400xf32, #tpu.memory_space<vmem_shared>>) target_semaphore(%run_scoped3A : memref<!tpu.dma_semaphore, #tpu.memory_space<semaphore_mem>>)
        %dma_wait3A_64 = arith.constant 0 : i32
        %dma_wait3A_65 = tpu.memref_slice %arg22[%dma_wait3A_64] : memref<8000xf32, #tpu.memory_space<vmem>> -> memref<6400xf32, #tpu.memory_space<vmem>>
        %dma_wait3A_66 = tpu.memref_slice %arg9[%mul3A_0] : memref<102400xf32, #tpu.memory_space<vmem_shared>> -> memref<6400xf32, #tpu.memory_space<vmem_shared>>
        %dma_wait3A_67 = tpu.memref_slice %arg9[%mul3A_0] : memref<102400xf32, #tpu.memory_space<vmem_shared>> -> memref<6400xf32, #tpu.memory_space<vmem_shared>>
        %dma_wait3A_68 = arith.constant 0 : i32
        %dma_wait3A_69 = tpu.memref_slice %arg22[%dma_wait3A_68] : memref<8000xf32, #tpu.memory_space<vmem>> -> memref<6400xf32, #tpu.memory_space<vmem>>
        tpu.wait_dma2 semaphore(%run_scoped3A : memref<!tpu.dma_semaphore, #tpu.memory_space<semaphore_mem>>) src(%dma_wait3A_69 : memref<6400xf32, #tpu.memory_space<vmem>>) dst(%dma_wait3A_67 : memref<6400xf32, #tpu.memory_space<vmem_shared>>)
        tpu.yield
      }) : () -> ()
      %barrier3A_57 = arith.constant 0 : index
      tpu.barrier barrier_id(%barrier3A_57)
    }
    %scan3A_9 = arith.constant 8 : i32
    return
  }
}

</mosaic_0001>

<sc_bundles>
// kernel: kernel.3.cloned.1.call-start
scs
__scs_entry_jumppad:
0x0: {  	(pc) =	sbr.rel $0x88, $3  }
0x1: {  	(tag) =	ssettag $0x0;
	lr =	simm.s32 $0x1  }
0x2: {  	[smem:$0x3F9E] =	sst lr;
	_ =	strace $0xD0000000  }
0x3: {  	_ = 	snop  }
0x4: {  	_ = 	snop  }
0x5: {  	_ = 	snop  }
0x6: {  	_ = 	snop  }
0x7: {  	_ = 	snop  }
__scs_overlays_trampoline_lowered:
0x8: {  	[smem:$0x3FAD] =	sst s0  }
0x9: {  	[smem:$0x3FAE] =	sst s1  }
0xa: {  	[smem:$0x3FAF] =	sst s2  }
0xb: {  	[smem:$0x3FB0] =	sst s3  }
0xc: {  	[smem:$0x3FB1] =	sst s4  }
0xd: {  	[smem:$0x3FB2] =	sst s5  }
0xe: {  	[smem:$0x3FB3] =	sst s6  }
0xf: {  	[smem:$0x3FB4] =	sst s7  }
0x10: {  	[smem:$0x3FB5] =	sst s8  }
0x11: {  	[smem:$0x3FB6] =	sst s9;
	s0 =	simm.s32 @!p0 $0x0  }
0x12: {  	s1 =	sld [smem:$0x3F9C];
	s0 =	simm.s32 @p0 $0x1  }
0x13: {  	[smem:$0x3FB7] =	sst s0;
	s0 =	simm.s32 @!p1 $0x0  }
0x14: {  	s2 =	sld [smem:$0x3F9B];
	s0 =	simm.s32 @p1 $0x1  }
0x15: {  	[smem:$0x3FB8] =	sst s0;
	s0 =	simm.s32 @!p2 $0x0  }
0x16: {  	s3 =	sld [smem:$0x3FDB];
	s0 =	simm.s32 @p2 $0x1  }
0x17: {  	s4 =	simm.s32 $0x1BF5;
	[smem:$0x3FBA] =	sst s0  }
0x18: {  	s0 =	sld [smem:$0x3F9D];
	_ =	swait.ge [sflag:s4], $0x0  }
0x19: {  	s7 =	sld [smem:$0x3F9E]  }
0x1a: {  	s8 =	sadd.s32 $0xFFFFE003, lr  }
0x1b: {  	s9 =	sadd.s32 $0xFFFFFEF7, lr;
	s5 =	simm.s32 $0xFFFFFFFF;
	p2 =	slt.u32 s8, $0xFFFFF086  }
0x1c: {  	p1 =	slt.u32 s9, $0xF7A;
	s5 =	simm.s32 @!p2 $0x0  }
0x1d: {  	s5 =	simm.s32 @p1 $0x1;
	p0 =	seq.s32 s7, s2  }
0x1e: {  	s7 =	smul.u32 @!p0 $0xF7A, s2;
	p2 =	seq.s32 @!p0 s5, $0x0  }
0x1f: {  	s9 =	smul.u32 $0xF7A, s1;
	s8 =	simm.s32 @!p0 $0x1BF5;
	p2 =	por !p2, p0  }
0x20: {  	[sflag:s8] =	ssyncset.s32 @!p0 $0xFFFFF086;
	s6 =	sadd.s32 @!p0 s3, s7;
	s7 =	simm.s32 @!p0 $0x108  }
0x21: {  	s3 =	sadd.s32 s3, s9;
	s6 =	sadd.s32 @!p0 $0x88, s6;
	s7 =	simm.s32 @p2 $0x1082  }
0x22: {  	[simem:s7], [sflag:s8] =	dma.local @!p0 [hbm:s6], $0xF7A  }
0x23: {  	s9 =	sor.u32 $0xD0000000, s2;
	s6 =	simm.s32 $0x108;
	_ =	swait.ge @!p0 [sflag:s8], $0x0  }
0x24: {  	s3 =	sadd.s32 $0x88, s3;
	s6 =	simm.s32 @!p1 $0x1082;
	[sflag:s4] =	ssyncset.s32 $0xFFFFF086  }
0x25: {  	[simem:s6], [sflag:s4] =	dma.local [hbm:s3], $0xF7A  }
0x26: {  	[smem:$0x3F9E] =	sst s1;
	(tag) =	ssettag s2;
	_ =	strace s9  }
0x27: {  	s1 =	sld [smem:$0x3FAE]  }
0x28: {  	s2 =	sld [smem:$0x3FAF]  }
0x29: {  	s4 =	sld [smem:$0x3FB1]  }
0x2a: {  	p0 =	seq.s32 s5, $0x0;
	s5 =	sld [smem:$0x3FB2]  }
0x2b: {  	s6 =	sld [smem:$0x3FB3]  }
0x2c: {  	s7 =	sld [smem:$0x3FB4]  }
0x2d: {  	s3 =	simm.s32 $0x108;
	s8 =	sld [smem:$0x3FB5]  }
0x2e: {  	s3 =	simm.s32 @!p0 $0x1082;
	s9 =	sld [smem:$0x3FB6]  }
0x2f: {  	lr =	sadd.s32 s0, s3;
	s0 =	sld [smem:$0x3FAD]  }
0x30: {  	s3 =	sld [smem:$0x3FB0]  }
0x31: {  	[smem:$0x3FB9] =	sst s10  }
0x32: {  	s10 =	sld [smem:$0x3FB7];
	_ =	sdelay $0x3  }
0x33: {  	p0 =	seq.s32 s10, $0x1;
	s10 =	sld [smem:$0x3FB9];
	_ =	sdelay $0x3  }
0x34: {  	[smem:$0x3FB9] =	sst s10  }
0x35: {  	s10 =	sld [smem:$0x3FB8];
	_ =	sdelay $0x3  }
0x36: {  	p1 =	seq.s32 s10, $0x1;
	s10 =	sld [smem:$0x3FB9];
	_ =	sdelay $0x3  }
0x37: {  	[smem:$0x3FB9] =	sst s10  }
0x38: {  	s10 =	sld [smem:$0x3FBA]  }
0x39: {  	_ = 	snop;
	(pc) =	sbr.ind lr, $3  }
0x3a: {  	_ = 	snop  }
0x3b: {  	_ = 	snop  }
0x3c: {  	p2 =	seq.s32 s10, $0x1;
	s10 =	sld [smem:$0x3FB9]  }
0x3d: {  	_ =	shalt  }
0x3e: {  	_ =	shalt  }
0x3f: {  	_ =	shalt  }
0x40: {  	_ =	shalt  }
0x41: {  	_ =	shalt  }
0x42: {  	_ =	shalt  }
0x43: {  	_ =	shalt  }
0x44: {  	_ =	shalt  }
0x45: {  	_ =	shalt  }
0x46: {  	_ =	shalt  }
0x47: {  	_ =	shalt  }
0x48: {  	_ =	shalt  }
0x49: {  	_ =	shalt  }
0x4a: {  	_ =	shalt  }
0x4b: {  	_ =	shalt  }
0x4c: {  	_ =	shalt  }
0x4d: {  	_ =	shalt  }
0x4e: {  	_ =	shalt  }
0x4f: {  	_ =	shalt  }
0x50: {  	_ =	shalt  }
0x51: {  	_ =	shalt  }
0x52: {  	_ =	shalt  }
0x53: {  	_ =	shalt  }
0x54: {  	_ =	shalt  }
0x55: {  	_ =	shalt  }
0x56: {  	_ =	shalt  }
0x57: {  	_ =	shalt  }
0x58: {  	_ =	shalt  }
0x59: {  	_ =	shalt  }
0x5a: {  	_ =	shalt  }
0x5b: {  	_ =	shalt  }
0x5c: {  	_ =	shalt  }
0x5d: {  	_ =	shalt  }
0x5e: {  	_ =	shalt  }
0x5f: {  	_ =	shalt  }
0x60: {  	_ =	shalt  }
0x61: {  	_ =	shalt  }
0x62: {  	_ =	shalt  }
0x63: {  	_ =	shalt  }
0x64: {  	_ =	shalt  }
0x65: {  	_ =	shalt  }
0x66: {  	_ =	shalt  }
0x67: {  	_ =	shalt  }
0x68: {  	_ =	shalt  }
0x69: {  	_ =	shalt  }
0x6a: {  	_ =	shalt  }
0x6b: {  	_ =	shalt  }
0x6c: {  	_ =	shalt  }
0x6d: {  	_ =	shalt  }
0x6e: {  	_ =	shalt  }
0x6f: {  	_ =	shalt  }
0x70: {  	_ =	shalt  }
0x71: {  	_ =	shalt  }
0x72: {  	_ =	shalt  }
0x73: {  	_ =	shalt  }
0x74: {  	_ =	shalt  }
0x75: {  	_ =	shalt  }
0x76: {  	_ =	shalt  }
0x77: {  	_ =	shalt  }
0x78: {  	_ =	shalt  }
0x79: {  	_ =	shalt  }
0x7a: {  	_ =	shalt  }
0x7b: {  	_ =	shalt  }
0x7c: {  	_ =	shalt  }
0x7d: {  	_ =	shalt  }
0x7e: {  	_ =	shalt  }
0x7f: {  	_ =	shalt  }
0x80: {  	_ =	shalt  }
0x81: {  	_ =	shalt  }
0x82: {  	_ =	shalt  }
0x83: {  	_ =	shalt  }
0x84: {  	_ =	shalt  }
0x85: {  	_ =	shalt  }
0x86: {  	_ =	shalt  }
0x87: {  	_ =	shalt  }
.Lfunc_end0:
.L_simem_size_0:
called_computation_lowered:
.L_overlay_start_0:
0x88: {  	s2 =	sld [smem:$0x3FD9]  }
0x89: {  	s3 =	sld [smem:$0x3FFE];
	_ =	sdelay $0x1  }
0x8a: {  	s1 =	srdreg.scid  }
0x8b: {  	s0 =	sand.u32 $0x1, s1  }
0x8c: {  	s14 =	sshll.u32 s0, $0xA;
	s2 =	sadd.s32 s3, s2  }
0x8d: {  	s2 =	sadd.s32 s2, s14  }
0x8e: {  	[smem:$0x3FC5] =	sst s2  }
0x8f: {  	_ = 	snop  }
0x90: {  	s2 =	sld [smem:$0x3FD0];
	_ =	sdelay $0x3  }
0x91: {  	s15 =	simm.s32 $0xA;
	s4 =	simm.s32 $0x10;
	s2 =	sadd.s32 $0x1, s2  }
0x92: {  	[smem:s4], [sflag:s15] =	dma.local [hbm:s2], $0x1  }
0x93: {  	_ =	swait.eq [sflag:s15], $0x1  }
0x94: {  	s16 =	sld [smem:$0x15];
	[sflag:s15] =	ssyncset.done $0x0  }
0x95: {  	s17 =	sld [smem:$0x16];
	[sflag:s15] =	ssyncadd.s32 $0xFFFFFFFF  }
0x96: {  	s18 =	sld [smem:$0x17];
	(tm) =	ssettm $0x1  }
0x97: {  	s5 =	sld [smem:$0x3FFB];
	_ =	sdelay $0x3  }
0x98: {  	_ =	strace s5  }
0x99: {  	s5 =	sld [smem:$0x3FFC];
	_ =	sdelay $0x3  }
0x9a: {  	_ =	strace s5  }
0x9b: {  	s5 =	sld [smem:$0x3FFD];
	_ =	sdelay $0x3  }
0x9c: {  	_ =	strace s5  }
0x9d: {  	_ =	strace $0x8FFFFFFF  }
0x9e: {  	s19 =	sld [smem:$0x3FDB];
	_ =	sdelay $0x1  }
0x9f: {  	s6 =	simm.s32 $_scs_section_size  }
0xa0: {  	s7 =	simm.s32 $_size__tile_overlayer_lowered;
	s8 =	simm.s32 $_tile_overlayer_lowered  }
0xa1: {  	s22 =	simm.s32 $0x1BFF;
	s21 =	sshll.u32 s8, $0x1;
	s5 =	sadd.s32 s6, s19  }
0xa2: {  	s9 =	simm.s32 $0x0;
	s20 =	sshll.u32 s7, $0x1;
	s7 =	sadd.s32 s21, s5  }
0xa3: {  	[timem:s9], [sflag:s22] =	dma.local [hbm:s7], s20  }
0xa4: {  	_ =	swait.ge [sflag:s22], s20  }
0xa5: {  	s6 =	ssub.s32 $0x0, s20;
	[sflag:s22] =	ssyncset.done $0x0  }
0xa6: {  	[sflag:s22] =	ssyncadd.s32 s6;
	_ =	sdelay $0x1  }
0xa7: {  	s23 =	simm.s32 $0x1B8B  }
0xa8: {  	_ =	swait.ge [sflag:s23], $0x1  }
0xa9: {  	[sflag:s23] =	ssyncset.done $0x0  }
0xaa: {  	s25 =	simm.s32 $0x1B8E;
	s24 =	sld [smem:$0x3FFE];
	[sflag:s23] =	ssyncadd.s32 $0xFFFFFFFF  }
0xab: {  	s26 =	simm.s32 $execute0_lowered;
	[smem:$0x3FD2] =	sst s25  }
0xac: {  	s7 =	sshll.u32 s26, $0x1;
	_ =	strace $0x80000046;
	[dreg:$0x1] =	wrdreg $0xFFFFFFFF  }
0xad: {  	s28 =	simm.s32 $_size_execute0_lowered;
	s5 =	sadd.s32 s5, s7;
	[dreg:$0x0] =	wrdreg $0x0  }
0xae: {  	s7 =	sshll.u32 s28, $0x1;
	[dreg:$0x2] =	wrdreg s5  }
0xaf: {  	[dreg:$0x3] =	wrdreg s7  }
0xb0: {  	[dreg:$0x4] =	wrdreg $0xC0  }
0xb1: {  	_ =	task [dreg:s9], $0x5FFFF  }
0xb2: {  	[dreg:$0x1] =	wrdreg $0xFFFFFFFF  }
0xb3: {  	[dreg:$0x0] =	wrdreg $0x60  }
0xb4: {  	[dreg:$0x2] =	wrdreg s18  }
0xb5: {  	[dreg:$0x3] =	wrdreg s24  }
0xb6: {  	[dreg:$0x4] =	wrdreg s16  }
0xb7: {  	[dreg:$0x5] =	wrdreg s17  }
0xb8: {  	[dreg:$0x6] =	wrdreg $0x0  }
0xb9: {  	[dreg:$0x7] =	wrdreg $0x4B000  }
0xba: {  	[dreg:$0x8] =	wrdreg $0x19000  }
0xbb: {  	[dreg:$0x9] =	wrdreg $0x32000  }
0xbc: {  	[dreg:$0xa] =	wrdreg $0x9  }
0xbd: {  	_ =	task.clear_ibuf [dreg:s9], $0xBFFFF;
	_ =	strace $0x90000046  }
0xbe: {  	s29 =	simm.s32 $0x9;
	_ =	strace $0x80000048  }
0xbf: {  	_ =	swait.ge [sflag:s29], $0x1  }
0xc0: {  	[sflag:s29] =	ssyncadd.s32 $0xFFFFFFFF  }
0xc1: {  	_ =	strace $0x90000048  }
0xc2: {  	_ =	sfence  }
0xc3: {  	s30 =	sld [smem:$0x0];
	_ =	sdelay $0x2  }
0xc4: {  	s31 =	sshll.u32 s1, $0xD;
	s1 =	sshrl.u32 s1, $0x2  }
0xc5: {  	s3 =	sand.u32 $0x4000, s31;
	s1 =	sadd.s32 s1, s30  }
0xc6: {  	s0 =	sor.u32 s3, s0;
	s1 =	sshll.u32 s1, $0x11  }
0xc7: {  	s0 =	sor.u32 s1, s0  }
0xc8: {  	s0 =	sadd.s32 $0x8F2B, s0  }
0xc9: {  	[sflag:s0] =	ssyncadd.remote.s32 $0x1  }
0xca: {  	_ =	sfence.sel $0xFFFF  }
0xcb: {  	[dreg:$0x0] =	wrdreg $0xFFFFFFFF;
	(pc) =	sbr.abs _section_cstart, $3  }
0xcc: {  	[dreg:$0x1] =	wrdreg $0xFFFFFFFF  }
0xcd: {  	_ =	task.clear_ibuf [dreg:s9], $0x2FFFF;
	_ =	strace $0x9FFFFFFF  }
0xce: {  	(tm) =	ssettm $0x7FFFFFFF  }
0xcf: {  	_ =	shalt  }
tec
execute0_lowered:
.L_overlay_start_1:
0x0: {  	(tag) =	ssettag $0x1  }
0x1: {  	s0 =	rddreg [dreg:$0x0]  }
0x2: {  	s1 =	rddreg [dreg:$0x1]  }
0x3: {  	s6 =	rddreg [dreg:$0x3]  }
0x4: {  	s2 =	rddreg [dreg:$0x4]  }
0x5: {  	s3 =	rddreg [dreg:$0x5]  }
0x6: {  	s4 =	rddreg [dreg:$0x6]  }
0x7: {  	s5 =	rddreg [dreg:$0x7];
	s7 =	simm.s32 $0x0;
	s9 =	srdreg.scid  }
0x8: {  	s14 =	stileid.u32;
	s28 =	simm.s32 $0xE200;
	s30 =	simm.s32 $0x6400  }
0x9: {  	s31 =	simm.s32 $0xA300;
	[smem:$0x7FF] =	sst s7;
	s8 =	sadd.s32 $0x24BA00, s1  }
0xa: {  	s9 =	sand.u32 $0x1, s9;
	s15 =	smul.u32 $0x1900, s14;
	s10 =	sadd.s32 $0x3D2400, s1  }
0xb: {  	s13 =	sadd.s32 $0x1800, s1;
	s14 =	smul.u32 $0x61A80, s14;
	s1 =	sadd.s32 $0x33800, s1  }
0xc: {  	_ =	strace $0x80000047;
	s11 =	ssub.s32 $0x2, s9;
	[dreg:$0xa] =	wrdreg s13  }
0xd: {  	s12 =	smul.u32 $0x61A800, s9;
	[dreg:$0xb] =	wrdreg s1;
	s24 =	sshll.u32 s9, $0x3  }
0xe: {  	s13 =	simm.s32 $0x3;
	s9 =	simm.s32 $0x1F40;
	s16 =	sshrl.u32 s11, $0x1  }
0xf: {  	s18 =	sshrl.u32 s15, $0x3;
	s19 =	sadd.s32 s15, s2;
	[dreg:$0x9] =	wrdreg s15  }
0x10: {  	s26 =	sadd.s32 s15, s3;
	s29 =	sadd.s32 s15, s4;
	[dreg:$0x14] =	wrdreg s24  }
0x11: {  	s22 =	sadd.s32 s15, s5;
	s15 =	simm.s32 $0x5;
	[dreg:$0xd] =	wrdreg s19  }
0x12: {  	s17 =	ssub.s32 s11, s16;
	s12 =	sadd.s32 s14, s12;
	[dreg:$0x11] =	wrdreg s22  }
0x13: {  	s0 =	sadd.s32 s0, s18;
	s20 =	sadd.s32 s6, s18;
	[dreg:$0xf] =	wrdreg s26  }
0x14: {  	s6 =	simm.s32 $0xFA0;
	s11 =	simm.s32 $0x12100;
	[dreg:$0x10] =	wrdreg s29  }
0x15: {  	s19 =	simm.s32 $0x10180;
	s22 =	simm.s32 $0x11120;
	[dreg:$0xc] =	wrdreg s0  }
0x16: {  	s14 =	simm.s32 $0x4;
	s16 =	simm.s32 $0x14080;
	[dreg:$0xe] =	wrdreg s20  }
0x17: {  	s21 =	sshrl.u32 s12, $0x3;
	s25 =	smax.u32 s17, $0x1;
	s24 =	sadd.s32 $0x1F40, s12  }
0x18: {  	s20 =	simm.s32 $0x9;
	s17 =	simm.s32 $0x0;
	s23 =	sadd.s32 s8, s21  }
0x19: {  	s0 =	sadd.s32 s10, s21;
	s21 =	sadd.s32 $0x3E80, s12;
	[dreg:$0x15] =	wrdreg s25  }
0x1a: {  	s25 =	simm.s32 $0xC280;
	s12 =	simm.s32 $0x2;
	[dreg:$0x12] =	wrdreg s23  }
0x1b: {  	[dreg:$0x13] =	wrdreg s0;
	s0 =	simm.s32 $0x1;
	s23 =	simm.s32 $0x8380  }
.LBB2_1:
0x1c: {  	[dreg:$0x16] =	wrdreg s17  }
0x1d: {  	s1 =	rddreg [dreg:$0xc];
	s17 =	simm.s32 $0x17F80  }
0x1e: {  	[tilespmem:s17], [sflag:$0x9] =	stream.linear.gather [hbm4b:s1+s7], $0x1900, $0x38;
	[tilespmem:$0x19F00] =	vst v63  }
0x1f: {  	_ =	swait.ge [sflag:s20], $0x1900  }
0x20: {  	[sflag:s20] =	ssyncset.done $0x0  }
0x21: {  	s18 =	rddreg [dreg:$0xd];
	[sflag:s20] =	ssyncadd.s32 $0xFFFFE700  }
0x22: {  	[spmem:s18] =	stream.linear.scatter [tilespmem:s17], [sflag:$0x9], $0x1900, $0x38;
	[tilespmem:$0x19F00] =	vst v63  }
0x23: {  	_ =	swait.ge [sflag:s20], $0x1900  }
0x24: {  	[sflag:s20] =	ssyncset.done $0x0  }
0x25: {  	s17 =	rddreg [dreg:$0xe];
	[sflag:s20] =	ssyncadd.s32 $0xFFFFE700  }
0x26: {  	[tilespmem:s28], [sflag:$0x9] =	stream.linear.gather [hbm4b:s17+s7], $0x1900, $0x38;
	[tilespmem:$0x19F00] =	vst v63  }
0x27: {  	_ =	swait.ge [sflag:s20], $0x1900  }
0x28: {  	[sflag:s20] =	ssyncset.done $0x0  }
0x29: {  	[sflag:s20] =	ssyncadd.s32 $0xFFFFE700  }
0x2a: {  	[spmem:s26] =	stream.linear.scatter [tilespmem:s28], [sflag:$0x9], $0x1900, $0x38;
	[tilespmem:$0x19F00] =	vst v63  }
0x2b: {  	_ =	swait.ge [sflag:s20], $0x1900  }
0x2c: {  	[sflag:s20] =	ssyncset.done $0x0  }
0x2d: {  	[sflag:s20] =	ssyncadd.s32 $0xFFFFE700  }
0x2e: {  	s26 =	simm.s32 $0x16000;
	s18 =	rddreg [dreg:$0x2]  }
0x2f: {  	[tilespmem:s26], [sflag:$0x9] =	stream.linear.gather [hbm4b:s18+s7], $0x1F80, $0x38;
	[tilespmem:$0x19F00] =	vst v63  }
0x30: {  	_ =	swait.ge [sflag:s20], $0x1F80  }
0x31: {  	[sflag:s20] =	ssyncset.done $0x0  }
0x32: {  	[sflag:s20] =	ssyncadd.s32 $0xFFFFE080  }
0x33: {  	s18 =	simm.s32 $0x0;
	[bflag:$0x0] =	sbarrier.arrive $0xFFFF  }
.LBB2_2:
0x34: {  	s17 =	simm.s32 $0x0;
	s1 =	rddreg [dreg:$0xe]  }
0x35: {  	[tilespmem:s28], [sflag:$0x9] =	stream.linear.gather [hbm4b:s1+s17], $0x1900, $0x38;
	[tilespmem:$0x19F00] =	vst v63  }
0x36: {  	_ =	swait.ge [sflag:s20], $0x1900  }
0x37: {  	[sflag:s20] =	ssyncset.done $0x0  }
0x38: {  	[sflag:s20] =	ssyncadd.s32 $0xFFFFE700  }
0x39: {  	[spmem:s29] =	stream.linear.scatter [tilespmem:s28], [sflag:$0x9], $0x1900, $0x38;
	[tilespmem:$0x19F00] =	vst v63  }
0x3a: {  	_ =	swait.ge [sflag:s20], $0x1900  }
0x3b: {  	[sflag:s20] =	ssyncset.done $0x0  }
0x3c: {  	s29 =	rddreg [dreg:$0x11];
	[sflag:s20] =	ssyncadd.s32 $0xFFFFE700  }
0x3d: {  	[spmem:s29] =	stream.linear.scatter [tilespmem:s28], [sflag:$0x9], $0x1900, $0x38;
	[tilespmem:$0x19F00] =	vst v63  }
0x3e: {  	_ =	swait.ge [sflag:s20], $0x1900  }
0x3f: {  	[sflag:s20] =	ssyncset.done $0x0  }
0x40: {  	[sflag:s20] =	ssyncadd.s32 $0xFFFFE700  }
0x41: {  	[bflag:$0x0] =	sbarrier.arrive $0xFFFF  }
0x42: {  	s26 =	rddreg [dreg:$0x12]  }
0x43: {  	[tilespmem:s30], [sflag:$0x1] =	stream.linear.gather [hbm4b:s26+s17], $0x1F40, $0x38;
	[tilespmem:$0x19F00] =	vst v63  }
0x44: {  	p0 =	sne.s32 s18, $0x0;
	s29 =	rddreg [dreg:$0x13]  }
0x45: {  	[tilespmem:s31], [sflag:$0x1] =	stream.linear.gather [hbm4b:s29+s17], $0x1F40, $0x38;
	[tilespmem:$0x19F00] =	vst v63  }
.LBB2_3:
0x46: {  	_ =	swait.ge [sflag:s0], $0x1F40  }
0x47: {  	[sflag:s0] =	ssyncset.done $0x0  }
0x48: {  	[sflag:s0] =	ssyncadd.s32 $0xFFFFE0C0  }
0x49: {  	_ =	swait.ge [sflag:s0], $0x1F40  }
0x4a: {  	[sflag:s0] =	ssyncset.done $0x0  }
0x4b: {  	[sflag:s0] =	ssyncadd.s32 $0xFFFFE0C0  }
0x4c: {  	[tilespmem:s28], [sflag:$0x3] =	stream.indirect.gather [spmem:s2], $0x1, s30, s6, $0xb8;
	[tilespmem:$0x19F00] =	vst v63  }
0x4d: {  	s1 =	simm.s32 $0x73A0;
	s20 =	simm.s32 $0xF1A0  }
0x4e: {  	[tilespmem:s20], [sflag:$0x3] =	stream.indirect.gather [spmem:s2], $0x1, s1, s6, $0xb8;
	[tilespmem:$0x19F00] =	vst v63  }
0x4f: {  	_ =	swait.ge [sflag:s13], $0xFA0  }
0x50: {  	[sflag:s13] =	ssyncset.done $0x0  }
0x51: {  	[sflag:s13] =	ssyncadd.s32 $0xFFFFF060  }
0x52: {  	_ =	swait.ge [sflag:s13], $0xFA0  }
0x53: {  	[sflag:s13] =	ssyncset.done $0x0  }
0x54: {  	s1 =	simm.s32 $0x0;
	[sflag:s13] =	ssyncadd.s32 $0xFFFFF060  }
0x55: {  	v0 =	vld [tilespmem:s1+$0xE200]  }
0x56: {  	v3 =	vld [tilespmem:s1+$0xE210]  }
0x57: {  	v4 =	vld [tilespmem:s1+$0xE220]  }
0x58: {  	v5 =	vld [tilespmem:s1+$0xE230];
	_ =	sdelay $0x1  }
0x59: {  	v1 =	vunpack.i.l.bf16.f32 v0  }
0x5a: {  	[tilespmem:s1+$0xE200] =	vst v1;
	v1 =	vunpack.i.l.bf16.f32 v3  }
0x5b: {  	s26 =	simm.s32 $0x40;
	v2 =	vunpack.i.l.bf16.f32 v4;
	[tilespmem:s1+$0xE210] =	vst v1  }
0x5c: {  	v6 =	vunpack.i.l.bf16.f32 v5;
	v1 =	vld [tilespmem:s26+$0xE200];
	[tilespmem:s1+$0xE220] =	vst v2  }
0x5d: {  	v2 =	vld [tilespmem:s26+$0xE210];
	[tilespmem:s1+$0xE230] =	vst v6;
	v6 =	vunpack.i.u.bf16.f32 v0  }
0x5e: {  	s29 =	simm.s32 $0x200;
	v4 =	vunpack.i.u.bf16.f32 v4;
	v5 =	vunpack.i.u.bf16.f32 v5;
	v3 =	vunpack.i.u.bf16.f32 v3;
	v0 =	vld [tilespmem:s26+$0xE220];
	[tilespmem:s1+$0x12100] =	vst v6  }
.LBB2_4:
0x5f: {  	p1 =	sne.s32 s29, $0x7C00;
	v6 =	vld [tilespmem:s26+$0xE230];
	[tilespmem:s1+$0x12110] =	vst v3  }
0x60: {  	[tilespmem:s1+$0x12120] =	vst v4  }
0x61: {  	v7 =	vunpack.i.u.bf16.f32 v1;
	v1 =	vunpack.i.l.bf16.f32 v1;
	[tilespmem:s1+$0x12130] =	vst v5;
	s1 =	smov.u32 s26  }
.Ltmp0:
0x62: {  	[tilespmem:s1+$0xE200] =	vst v1;
	v3 =	vunpack.i.u.bf16.f32 v2;
	v1 =	vunpack.i.l.bf16.f32 v2;
	(pc) =	sbr.rel @p1 .LBB2_4-.Ltmp0, $4  }
0x63: {  	s26 =	sshra.s32 s29, $0x2;
	[tilespmem:s1+$0xE210] =	vst v1;
	v4 =	vunpack.i.u.bf16.f32 v0;
	v0 =	vunpack.i.l.bf16.f32 v0  }
0x64: {  	v1 =	vld [tilespmem:s26+$0xE200];
	[tilespmem:s1+$0xE220] =	vst v0;
	v5 =	vunpack.i.u.bf16.f32 v6;
	v0 =	vunpack.i.l.bf16.f32 v6  }
0x65: {  	v2 =	vld [tilespmem:s26+$0xE210];
	[tilespmem:s1+$0xE230] =	vst v0  }
0x66: {  	s29 =	sadd.s32 $0x100, s29;
	v0 =	vld [tilespmem:s26+$0xE220];
	[tilespmem:s1+$0x12100] =	vst v7  }
0x67: {  	v6 =	vld [tilespmem:s26+$0xE230];
	[tilespmem:s1+$0x12110] =	vst v3  }
0x68: {  	[tilespmem:s1+$0x12120] =	vst v4  }
0x69: {  	[tilespmem:s1+$0x12130] =	vst v5;
	v3 =	vunpack.i.l.bf16.f32 v1  }
0x6a: {  	v1 =	vunpack.i.u.bf16.f32 v1;
	[tilespmem:s26+$0xE200] =	vst v3  }
0x6b: {  	v3 =	vunpack.i.l.bf16.f32 v2;
	[tilespmem:s26+$0x12100] =	vst v1  }
0x6c: {  	v2 =	vunpack.i.u.bf16.f32 v2;
	[tilespmem:s26+$0xE210] =	vst v3  }
0x6d: {  	v3 =	vunpack.i.l.bf16.f32 v0;
	[tilespmem:s26+$0x12110] =	vst v2  }
0x6e: {  	v0 =	vunpack.i.u.bf16.f32 v0;
	[tilespmem:s26+$0xE220] =	vst v3  }
0x6f: {  	v3 =	vunpack.i.l.bf16.f32 v6;
	[tilespmem:s26+$0x12120] =	vst v0  }
0x70: {  	p1 =	seq.s32 s17, $0x0;
	v1 =	vunpack.i.u.bf16.f32 v6;
	[tilespmem:s26+$0xE230] =	vst v3  }
0x71: {  	s1 =	simm.s32 @!p1 $0x6;
	[tilespmem:s26+$0x12130] =	vst v1  }
0x72: {  	_ =	swait.ge @!p1 [sflag:s1], $0x1F40  }
0x73: {  	[sflag:s1] =	ssyncset.done @!p1 $0x0  }
0x74: {  	[sflag:s1] =	ssyncadd.s32 @!p1 $0xFFFFE0C0  }
0x75: {  	p2 =	sne.s32 @!p1 s18, $0x0;
	_ =	swait.ge @!p1 [sflag:s1], $0x1F40  }
0x76: {  	s20 =	smul.u32 $0x3E80, s17;
	p2 =	por p2, p1;
	[sflag:s1] =	ssyncset.done @!p1 $0x0  }
0x77: {  	[sflag:s1] =	ssyncadd.s32 @!p1 $0xFFFFE0C0;
	s1 =	simm.s32 @!p2 $0x8  }
0x78: {  	s20 =	sadd.s32 s24, s20;
	_ =	swait.ge @!p2 [sflag:s1], $0x1F40  }
0x79: {  	s20 =	sshrl.u32 s20, $0x3;
	[sflag:s1] =	ssyncset.done @!p2 $0x0  }
0x7a: {  	s26 =	sadd.s32 s8, s20;
	[sflag:s1] =	ssyncadd.s32 @!p2 $0xFFFFE0C0  }
0x7b: {  	[tilespmem:s23], [sflag:$0x2] =	stream.linear.gather [hbm4b:s26+s7], $0x1F40, $0x38;
	[tilespmem:$0x19F00] =	vst v63  }
0x7c: {  	s20 =	sadd.s32 s10, s20  }
0x7d: {  	[tilespmem:s25], [sflag:$0x2] =	stream.linear.gather [hbm4b:s20+s7], $0x1F40, $0x38;
	[tilespmem:$0x19F00] =	vst v63  }
0x7e: {  	_ = 	snop  }
0x7f: {  	[spmem:s4] =	stream.indirect.scatter.add.f32 [tilespmem:s28], [sflag:$0x5], $0x1, s31, s9, $0xb8;
	[tilespmem:$0x19F00] =	vst v63  }
0x80: {  	_ = 	snop  }
0x81: {  	[spmem:s5] =	stream.indirect.scatter.add.f32 [tilespmem:s11], [sflag:$0x5], $0x1, s31, s9, $0xb8;
	[tilespmem:$0x19F00] =	vst v63  }
0x82: {  	s1 =	simm.s32 @!p0 $0x1F40;
	s26 =	simm.s32 @!p0 $0x16000;
	s20 =	simm.s32 @!p0 $0xA300  }
0x83: {  	[spmem:s3] =	stream.indirect.scatter.add.f32 @!p0 [tilespmem:s26], [sflag:$0x7], $0x1, s20, s1, $0xb8;
	[tilespmem:$0x19F00] =	vst v63  }
0x84: {  	_ =	swait.ge [sflag:s12], $0x1F40  }
0x85: {  	[sflag:s12] =	ssyncset.done $0x0  }
0x86: {  	[sflag:s12] =	ssyncadd.s32 $0xFFFFE0C0  }
0x87: {  	_ =	swait.ge [sflag:s12], $0x1F40  }
0x88: {  	[sflag:s12] =	ssyncset.done $0x0  }
0x89: {  	[sflag:s12] =	ssyncadd.s32 $0xFFFFE0C0  }
0x8a: {  	[tilespmem:s19], [sflag:$0x4] =	stream.indirect.gather [spmem:s2], $0x1, s23, s6, $0xb8;
	[tilespmem:$0x19F00] =	vst v63  }
0x8b: {  	s26 =	simm.s32 $0x9320  }
0x8c: {  	[tilespmem:s22], [sflag:$0x4] =	stream.indirect.gather [spmem:s2], $0x1, s26, s6, $0xb8;
	[tilespmem:$0x19F00] =	vst v63  }
0x8d: {  	_ =	swait.ge [sflag:s14], $0xFA0  }
0x8e: {  	[sflag:s14] =	ssyncset.done $0x0  }
0x8f: {  	[sflag:s14] =	ssyncadd.s32 $0xFFFFF060  }
0x90: {  	_ =	swait.ge [sflag:s14], $0xFA0  }
0x91: {  	[sflag:s14] =	ssyncset.done $0x0  }
0x92: {  	s29 =	simm.s32 $0x0;
	[sflag:s14] =	ssyncadd.s32 $0xFFFFF060  }
0x93: {  	v0 =	vld [tilespmem:s29+$0x10180]  }
0x94: {  	v3 =	vld [tilespmem:s29+$0x10190]  }
0x95: {  	v4 =	vld [tilespmem:s29+$0x101A0]  }
0x96: {  	v5 =	vld [tilespmem:s29+$0x101B0];
	_ =	sdelay $0x1  }
0x97: {  	v1 =	vunpack.i.l.bf16.f32 v0  }
0x98: {  	[tilespmem:s29+$0x10180] =	vst v1;
	v1 =	vunpack.i.l.bf16.f32 v3  }
0x99: {  	s1 =	simm.s32 $0x40;
	v2 =	vunpack.i.l.bf16.f32 v4;
	[tilespmem:s29+$0x10190] =	vst v1  }
0x9a: {  	v6 =	vunpack.i.l.bf16.f32 v5;
	v1 =	vld [tilespmem:s1+$0x10180];
	[tilespmem:s29+$0x101A0] =	vst v2  }
0x9b: {  	v2 =	vld [tilespmem:s1+$0x10190];
	[tilespmem:s29+$0x101B0] =	vst v6;
	v6 =	vunpack.i.u.bf16.f32 v0  }
0x9c: {  	s20 =	simm.s32 $0x200;
	s26 =	sshll.u32 s17, $0x1;
	v4 =	vunpack.i.u.bf16.f32 v4;
	v5 =	vunpack.i.u.bf16.f32 v5;
	v3 =	vunpack.i.u.bf16.f32 v3;
	v0 =	vld [tilespmem:s1+$0x101A0];
	[tilespmem:s29+$0x14080] =	vst v6  }
.LBB2_6:
0x9d: {  	p1 =	sne.s32 s20, $0x7C00;
	v6 =	vld [tilespmem:s1+$0x101B0];
	[tilespmem:s29+$0x14090] =	vst v3  }
0x9e: {  	[tilespmem:s29+$0x140A0] =	vst v4  }
0x9f: {  	v7 =	vunpack.i.u.bf16.f32 v1;
	v1 =	vunpack.i.l.bf16.f32 v1;
	[tilespmem:s29+$0x140B0] =	vst v5;
	s29 =	smov.u32 s1  }
.Ltmp1:
0xa0: {  	[tilespmem:s29+$0x10180] =	vst v1;
	v3 =	vunpack.i.u.bf16.f32 v2;
	v1 =	vunpack.i.l.bf16.f32 v2;
	(pc) =	sbr.rel @p1 .LBB2_6-.Ltmp1, $4  }
0xa1: {  	s1 =	sshra.s32 s20, $0x2;
	[tilespmem:s29+$0x10190] =	vst v1;
	v4 =	vunpack.i.u.bf16.f32 v0;
	v0 =	vunpack.i.l.bf16.f32 v0  }
0xa2: {  	v1 =	vld [tilespmem:s1+$0x10180];
	[tilespmem:s29+$0x101A0] =	vst v0;
	v5 =	vunpack.i.u.bf16.f32 v6;
	v0 =	vunpack.i.l.bf16.f32 v6  }
0xa3: {  	v2 =	vld [tilespmem:s1+$0x10190];
	[tilespmem:s29+$0x101B0] =	vst v0  }
0xa4: {  	s20 =	sadd.s32 $0x100, s20;
	v0 =	vld [tilespmem:s1+$0x101A0];
	[tilespmem:s29+$0x14080] =	vst v7  }
0xa5: {  	v6 =	vld [tilespmem:s1+$0x101B0];
	[tilespmem:s29+$0x14090] =	vst v3  }
0xa6: {  	[tilespmem:s29+$0x140A0] =	vst v4  }
0xa7: {  	[tilespmem:s29+$0x140B0] =	vst v5;
	v56 =	vunpack.i.l.bf16.f32 v1  }
0xa8: {  	v60 =	vunpack.i.u.bf16.f32 v1;
	[tilespmem:s1+$0x10180] =	vst v56  }
0xa9: {  	v57 =	vunpack.i.l.bf16.f32 v2;
	[tilespmem:s1+$0x14080] =	vst v60  }
0xaa: {  	v61 =	vunpack.i.u.bf16.f32 v2;
	[tilespmem:s1+$0x10190] =	vst v57  }
0xab: {  	v58 =	vunpack.i.l.bf16.f32 v0;
	[tilespmem:s1+$0x14090] =	vst v61  }
0xac: {  	v62 =	vunpack.i.u.bf16.f32 v0;
	[tilespmem:s1+$0x101A0] =	vst v58  }
0xad: {  	v59 =	vunpack.i.l.bf16.f32 v6;
	[tilespmem:s1+$0x140A0] =	vst v62  }
0xae: {  	v63 =	vunpack.i.u.bf16.f32 v6;
	[tilespmem:s1+$0x101B0] =	vst v59  }
0xaf: {  	[tilespmem:s1+$0x140B0] =	vst v63  }
0xb0: {  	_ =	swait.ge [sflag:s15], $0x1F40  }
0xb1: {  	[sflag:s15] =	ssyncset.done $0x0  }
0xb2: {  	[sflag:s15] =	ssyncadd.s32 $0xFFFFE0C0  }
0xb3: {  	s26 =	smin.u32 s26, $0x2F;
	_ =	swait.ge [sflag:s15], $0x1F40  }
0xb4: {  	s1 =	smul.u32 $0x1F40, s26;
	[sflag:s15] =	ssyncset.done $0x0  }
0xb5: {  	s20 =	simm.s32 @!p0 $0x7;
	[sflag:s15] =	ssyncadd.s32 $0xFFFFE0C0  }
0xb6: {  	s1 =	sadd.s32 s1, s21;
	_ =	swait.ge @!p0 [sflag:s20], $0x1F40  }
0xb7: {  	s1 =	sshrl.u32 s1, $0x3;
	[sflag:s20] =	ssyncset.done @!p0 $0x0  }
0xb8: {  	s29 =	sadd.s32 s8, s1;
	[sflag:s20] =	ssyncadd.s32 @!p0 $0xFFFFE0C0  }
0xb9: {  	[tilespmem:s30], [sflag:$0x1] =	stream.linear.gather [hbm4b:s29+s7], $0x1F40, $0x38;
	[tilespmem:$0x19F00] =	vst v63  }
0xba: {  	s17 =	sadd.s32 $0x1, s17;
	s1 =	sadd.s32 s10, s1  }
0xbb: {  	[tilespmem:s31], [sflag:$0x1] =	stream.linear.gather [hbm4b:s1+s7], $0x1F40, $0x38;
	[tilespmem:$0x19F00] =	vst v63  }
0xbc: {  	p1 =	sne.s32 s17, $0x19  }
0xbd: {  	[spmem:s4] =	stream.indirect.scatter.add.f32 [tilespmem:s19], [sflag:$0x6], $0x1, s25, s9, $0xb8;
	[tilespmem:$0x19F00] =	vst v63  }
.Ltmp2:
0xbe: {  	_ = 	snop;
	(pc) =	sbr.rel @p1 .LBB2_3-.Ltmp2, $4  }
0xbf: {  	_ = 	snop  }
0xc0: {  	[spmem:s5] =	stream.indirect.scatter.add.f32 [tilespmem:s16], [sflag:$0x6], $0x1, s25, s9, $0xb8;
	[tilespmem:$0x19F00] =	vst v63  }
0xc1: {  	s26 =	simm.s32 @!p0 $0x16000;
	s20 =	simm.s32 @!p0 $0xC280;
	s1 =	simm.s32 @!p0 $0x1F40  }
0xc2: {  	[spmem:s3] =	stream.indirect.scatter.add.f32 @!p0 [tilespmem:s26], [sflag:$0x8], $0x1, s20, s1, $0xb8;
	[tilespmem:$0x19F00] =	vst v63  }
0xc3: {  	s1 =	simm.s32 $0x6  }
0xc4: {  	_ =	swait.ge [sflag:s1], $0x1F40  }
0xc5: {  	[sflag:s1] =	ssyncset.done $0x0  }
0xc6: {  	[sflag:s1] =	ssyncadd.s32 $0xFFFFE0C0  }
0xc7: {  	_ =	swait.ge [sflag:s1], $0x1F40  }
0xc8: {  	[sflag:s1] =	ssyncset.done $0x0  }
0xc9: {  	[sflag:s1] =	ssyncadd.s32 $0xFFFFE0C0  }
0xca: {  	_ =	swait.ge [sflag:s0], $0x1F40  }
.Ltmp3:
0xcb: {  	[sflag:s0] =	ssyncset.done $0x0;
	(pc) =	sbr.rel @!p0 .LBB2_9-.Ltmp3, $4  }
0xcc: {  	[sflag:s0] =	ssyncadd.s32 $0xFFFFE0C0  }
0xcd: {  	_ =	swait.ge [sflag:s0], $0x1F40  }
0xce: {  	[sflag:s0] =	ssyncset.done $0x0  }
0xcf: {  	[sflag:s0] =	ssyncadd.s32 $0xFFFFE0C0  }
.Ltmp4:
0xd0: {  	(pc) =	sbr.rel .LBB2_13-.Ltmp4, $4  }
0xd1: {  	_ = 	snop  }
0xd2: {  	[bflag:$0x0] =	sbarrier.arrive $0xFFFF  }
0xd3: {  	s26 =	rddreg [dreg:$0xf]  }
0xd4: {  	s20 =	simm.s32 $0x9;
	s29 =	rddreg [dreg:$0x10]  }
.LBB2_9:
0xd5: {  	s1 =	simm.s32 $0x8  }
0xd6: {  	_ =	swait.ge [sflag:s1], $0x1F40  }
0xd7: {  	[sflag:s1] =	ssyncset.done $0x0  }
0xd8: {  	[sflag:s1] =	ssyncadd.s32 $0xFFFFE0C0  }
0xd9: {  	[bflag:$0x0] =	sbarrier.arrive $0xFFFF  }
0xda: {  	s20 =	simm.s32 $0x9;
	s26 =	rddreg [dreg:$0xf]  }
0xdb: {  	[tilespmem:s19], [sflag:$0x9] =	stream.linear.gather [spmem:s26], $0x1900, $0x38;
	[tilespmem:$0x19F00] =	vst v63  }
0xdc: {  	_ =	swait.ge [sflag:s20], $0x1900  }
0xdd: {  	[sflag:s20] =	ssyncset.done $0x0  }
0xde: {  	s17 =	simm.s32 $0x40;
	s1 =	simm.s32 $0x0;
	[sflag:s20] =	ssyncadd.s32 $0xFFFFE700  }
.LBB2_10:
0xdf: {  	p0 =	sne.s32 s17, $0x63C0;
	v0 =	vld [tilespmem:s1+$0x10180];
	_ =	sdelay $0x4  }
0xe0: {  	v0 =	vmax.f32 v0, $1.000000000e+00  }
0xe1: {  	(erf) = vrcp.f32 v0;
	_ =	sdelay $0x5  }
.Ltmp5:
0xe2: {  	(pc) =	sbr.rel @p0 .LBB2_10-.Ltmp5, $3  }
0xe3: {  	_ =	sdelay $0x1  }
0xe4: {  	v0 =	vpop (erf)  }
0xe5: {  	[tilespmem:s1+$0x10180] =	vst v0;
	s1 =	sshra.s32 s17, $0x2;
	s17 =	sadd.s32 $0x40, s17  }
0xe6: {  	v0 =	vld [tilespmem:s1+$0x10180];
	_ =	sdelay $0x4  }
0xe7: {  	v0 =	vmax.f32 v0, $1.000000000e+00  }
0xe8: {  	(erf) = vrcp.f32 v0;
	_ =	sdelay $0x8  }
0xe9: {  	v0 =	vpop (erf)  }
0xea: {  	[tilespmem:s1+$0x10180] =	vst v0  }
0xeb: {  	[spmem:s26] =	stream.linear.scatter [tilespmem:s19], [sflag:$0x9], $0x1900, $0x38;
	[tilespmem:$0x19F00] =	vst v63  }
0xec: {  	_ =	swait.ge [sflag:s20], $0x1900  }
0xed: {  	[sflag:s20] =	ssyncset.done $0x0  }
0xee: {  	s29 =	rddreg [dreg:$0x10];
	[sflag:s20] =	ssyncadd.s32 $0xFFFFE700  }
.LBB2_13:
0xef: {  	[tilespmem:s28], [sflag:$0x9] =	stream.linear.gather [spmem:s29], $0x1900, $0x38;
	[tilespmem:$0x19F00] =	vst v63  }
0xf0: {  	_ =	swait.ge [sflag:s20], $0x1900  }
0xf1: {  	[sflag:s20] =	ssyncset.done $0x0  }
0xf2: {  	s1 =	rddreg [dreg:$0x11];
	[sflag:s20] =	ssyncadd.s32 $0xFFFFE700  }
0xf3: {  	[tilespmem:s11], [sflag:$0x9] =	stream.linear.gather [spmem:s1], $0x1900, $0x38;
	[tilespmem:$0x19F00] =	vst v63  }
0xf4: {  	_ =	swait.ge [sflag:s20], $0x1900  }
0xf5: {  	[sflag:s20] =	ssyncset.done $0x0  }
0xf6: {  	[sflag:s20] =	ssyncadd.s32 $0xFFFFE700  }
0xf7: {  	[tilespmem:s19], [sflag:$0x9] =	stream.linear.gather [spmem:s26], $0x1900, $0x38;
	[tilespmem:$0x19F00] =	vst v63  }
0xf8: {  	_ =	swait.ge [sflag:s20], $0x1900  }
0xf9: {  	[sflag:s20] =	ssyncset.done $0x0  }
0xfa: {  	s1 =	simm.s32 $0x0;
	[sflag:s20] =	ssyncadd.s32 $0xFFFFE700  }
0xfb: {  	v2 =	vld [tilespmem:s1+$0x10180]  }
0xfc: {  	v0 =	vld [tilespmem:s1+$0xE200]  }
0xfd: {  	v3 =	vld [tilespmem:s1+$0x12100];
	_ =	sdelay $0x3  }
0xfe: {  	v1 =	vmul.f32 v0, v2  }
0xff: {  	s17 =	simm.s32 $0x10;
	v2 =	vmul.f32 v3, v2  }
0x100: {  	s20 =	simm.s32 $0x80;
	v0 =	vld [tilespmem:s17+$0x10180];
	[tilespmem:s1+$0xE200] =	vst v1  }
.LBB2_14:
0x101: {  	p0 =	sne.s32 s20, $0x63C0;
	v3 =	vld [tilespmem:s17+$0xE200];
	[tilespmem:s1+$0x12100] =	vst v2;
	v1 =	vpack.i.f32.bf16 v2, v1  }
0x102: {  	v2 =	vld [tilespmem:s17+$0x12100];
	[tilespmem:s1+$0x17F80] =	vst v1;
	s1 =	smov.u32 s17;
	_ =	sdelay $0x1  }
.Ltmp6:
0x103: {  	(pc) =	sbr.rel @p0 .LBB2_14-.Ltmp6, $4  }
0x104: {  	_ = 	snop  }
0x105: {  	v1 =	vmul.f32 v3, v0  }
0x106: {  	s17 =	sshra.s32 s20, $0x2;
	v2 =	vmul.f32 v2, v0  }
0x107: {  	s20 =	sadd.s32 $0x40, s20;
	v0 =	vld [tilespmem:s17+$0x10180];
	[tilespmem:s1+$0xE200] =	vst v1  }
0x108: {  	v3 =	vld [tilespmem:s17+$0xE200];
	[tilespmem:s1+$0x12100] =	vst v2  }
0x109: {  	v4 =	vld [tilespmem:s17+$0x12100];
	_ =	sdelay $0x1  }
0x10a: {  	s20 =	rddreg [dreg:$0x14]  }
0x10b: {  	s20 =	sadd.s32 s20, s18  }
0x10c: {  	v1 =	vpack.i.f32.bf16 v2, v1;
	s20 =	smul.u32 $0x19000, s20;
	v62 =	vmul.f32 v3, v0  }
0x10d: {  	[tilespmem:s1+$0x17F80] =	vst v1;
	s1 =	rddreg [dreg:$0x9];
	v63 =	vmul.f32 v4, v0  }
0x10e: {  	s1 =	sadd.s32 s1, s20;
	[tilespmem:s17+$0xE200] =	vst v62  }
0x10f: {  	s20 =	rddreg [dreg:$0xa];
	s1 =	sshrl.u32 s1, $0x3;
	[tilespmem:s17+$0x12100] =	vst v63;
	v0 =	vpack.i.f32.bf16 v63, v62  }
0x110: {  	[tilespmem:s17+$0x17F80] =	vst v0;
	s17 =	sadd.s32 s20, s1;
	s20 =	simm.s32 $0x9  }
0x111: {  	[hbm4b:s17+s7] =	stream.linear.scatter [tilespmem:s28], [sflag:$0x9], $0x1900, $0x38;
	[tilespmem:$0x19F00] =	vst v63  }
0x112: {  	_ =	swait.ge [sflag:s20], $0x1900  }
0x113: {  	[sflag:s20] =	ssyncset.done $0x0;
	s17 =	rddreg [dreg:$0xb]  }
0x114: {  	[sflag:s20] =	ssyncadd.s32 $0xFFFFE700;
	s1 =	sadd.s32 s17, s1  }
0x115: {  	[hbm4b:s1+s7] =	stream.linear.scatter [tilespmem:s11], [sflag:$0x9], $0x1900, $0x38;
	[tilespmem:$0x19F00] =	vst v63  }
0x116: {  	s18 =	sadd.s32 $0x1, s18;
	_ =	swait.ge [sflag:s20], $0x1900  }
0x117: {  	p0 =	sne.s32 s18, $0x8;
	[sflag:s20] =	ssyncset.done $0x0  }
0x118: {  	s17 =	simm.s32 $0x17F80;
	s1 =	rddreg [dreg:$0xd];
	[sflag:s20] =	ssyncadd.s32 $0xFFFFE700  }
0x119: {  	[spmem:s1] =	stream.linear.scatter [tilespmem:s17], [sflag:$0x9], $0x1900, $0x38;
	[tilespmem:$0x19F00] =	vst v63  }
.Ltmp7:
0x11a: {  	_ =	swait.ge [sflag:s20], $0x1900;
	(pc) =	sbr.rel @p0 .LBB2_2-.Ltmp7, $3  }
0x11b: {  	[sflag:s20] =	ssyncset.done $0x0  }
0x11c: {  	[sflag:s20] =	ssyncadd.s32 $0xFFFFE700  }
0x11d: {  	[bflag:$0x0] =	sbarrier.arrive $0xFFFF;
	_ =	sdelay $0x1  }
0x11e: {  	s17 =	rddreg [dreg:$0x16]  }
0x11f: {  	s1 =	rddreg [dreg:$0x15];
	s17 =	sadd.s32 $0x1, s17  }
0x120: {  	p0 =	sne.s32 s17, s1  }
.Ltmp8:
0x121: {  	_ = 	snop;
	(pc) =	sbr.rel @p0 .LBB2_1-.Ltmp8, $1  }
0x122: {  	_ =	sdelay $0x3  }
0x123: {  	_ =	sfence.sel $0x180000  }
0x124: {  	[bflag:$0x0] =	sbarrier.arrive $0xFFFF  }
0x125: {  	_ =	strace $0x90000047  }
0x126: {  	s0 =	stileid.u32;
	[bflag:$0x2] =	sbarrier.arrive $0xFFFF  }
0x127: {  	p0 =	sne.s32 s0, $0x0;
	s0 =	rddreg [dreg:$0x8]  }
0x128: {  	s0 =	sadd.s32 @!p0 $0x100000, s0  }
0x129: {  	[sflag:s0] =	ssyncadd.tile.s32 @!p0 $0x1;
	_ =	shalt  }
.Lfunc_end2:
_tile_overlayer_lowered:
.L_overlay_start_2:
0x12a: {  	(tag) =	ssettag $0x2  }
0x12b: {  	s0 =	rddreg [dreg:$0x0];
	s2 =	stileid.u32  }
0x12c: {  	s1 =	rddreg [dreg:$0x1];
	p0 =	sne.s32 s2, $0x0  }
0x12d: {  	s3 =	rddreg [dreg:$0x2];
	[bflag:$0x3] =	sbarrier.arrive $0xFFFF;
	s2 =	simm.s32 @!p0 $0x1C09  }
0x12e: {  	[timem:s3], [sflag:s2] =	dma.local @!p0 [hbm:s0], s1  }
0x12f: {  	s0 =	simm.s32 @!p0 $0x9  }
0x130: {  	_ =	swait.ge @!p0 [sflag:s0], s1  }
0x131: {  	s1 =	ssub.s32 @!p0 $0x0, s1;
	[sflag:s0] =	ssyncset.done @!p0 $0x0  }
0x132: {  	[sflag:s0] =	ssyncadd.s32 @!p0 s1  }
0x133: {  	[bflag:$0x3] =	sbarrier.arrive $0xFFFF  }
0x134: {  	_ =	shalt  }

</sc_bundles>
